<compile_context>
chip_gen: v7x
topology: tpu7x:2x2x1
jax: 0.10.2.dev20260603
libtpu: 0.0.44.dev20260713+nightly
codegen_flags: <defaults>
</compile_context>

<pallas_src>
import jax
import jax.numpy as jnp
from jax.experimental import pallas as pl

PRE_NMS = 1000
POST_NMS = 300
NMS_THRESH = 0.7
OUT_SIZE = 7
NPAD = 1024
RBLK = 24
RPAD = 312
NRB = RPAD // RBLK
NBINS = OUT_SIZE * OUT_SIZE
ROWS = RBLK * NBINS


def _nms_kernel(coords_ref, keep_ref):
    c = coords_ref[0]
    x1r = c[0:1, :]
    y1r = c[1:2, :]
    x2r = c[2:3, :]
    y2r = c[3:4, :]
    x1c = jnp.transpose(x1r)
    y1c = jnp.transpose(y1r)
    x2c = jnp.transpose(x2r)
    y2c = jnp.transpose(y2r)
    area_r = (x2r - x1r) * (y2r - y1r)
    area_c = (x2c - x1c) * (y2c - y1c)
    wx = jnp.clip(jnp.minimum(x2c, x2r) - jnp.maximum(x1c, x1r), 0.0)
    wy = jnp.clip(jnp.minimum(y2c, y2r) - jnp.maximum(y1c, y1r), 0.0)
    inter = wx * wy
    iou = inter / (area_c + area_r - inter + 1e-9)
    ii = jax.lax.broadcasted_iota(jnp.int32, (NPAD, NPAD), 0)
    jj = jax.lax.broadcasted_iota(jnp.int32, (NPAD, NPAD), 1)
    sup_mat = ((iou > NMS_THRESH) & (jj > ii)).astype(jnp.float32)

    def cond(carry):
        return carry[1]

    def body(carry):
        keep, _ = carry
        hits = jnp.dot(keep, sup_mat, preferred_element_type=jnp.float32)
        new = jnp.where(hits > 0.0, 0.0, 1.0)
        return new, jnp.any(new != keep)

    keep0 = jnp.ones((1, NPAD), jnp.float32)
    keep, _ = jax.lax.while_loop(cond, body, (keep0, jnp.array(True)))
    keep_ref[0] = keep


def _roi_kernel(rois_ref, feat_ref, out_ref):
    r = rois_ref[0, 0]
    x1 = r[0:1, :]
    y1 = r[1:2, :]
    x2 = r[2:3, :]
    y2 = r[3:4, :]
    feat = feat_ref[0]
    HW = feat.shape[1]
    H = 50
    fdim = jnp.float32(H)

    coli = jax.lax.broadcasted_iota(jnp.int32, (1, ROWS), 1)
    pbin = ((coli // OUT_SIZE) % OUT_SIZE).astype(jnp.float32)
    qbin = (coli % OUT_SIZE).astype(jnp.float32)
    subl = jax.lax.broadcasted_iota(jnp.int32, (H, ROWS), 0)

    def axis_weights(lo, hi, binidx):
        binsz = (hi - lo) / OUT_SIZE
        acc = jnp.zeros((H, ROWS), jnp.float32)
        for a in (0, 1):
            frac = binidx + (a + 0.5) / 2.0
            ss = lo + frac * binsz
            v = ((ss >= -1.0) & (ss <= fdim)).astype(jnp.float32)
            sc = jnp.clip(ss, 0.0, fdim - 1.0)
            f0 = jnp.floor(sc)
            i0 = f0.astype(jnp.int32)
            i1 = jnp.minimum(i0 + 1, H - 1)
            lw = sc - f0
            hw = 1.0 - lw
            w = hw * (i0 == subl).astype(jnp.float32) \
                + lw * (i1 == subl).astype(jnp.float32)
            acc = acc + w * v
        return acc * 0.5

    ay = axis_weights(y1, y2, pbin)
    ax = axis_weights(x1, x2, qbin)

    er = jax.lax.broadcasted_iota(jnp.int32, (HW, H), 0)
    el = jax.lax.broadcasted_iota(jnp.int32, (HW, H), 1)
    eh = ((er // H) == el).astype(jnp.float32)
    ew = ((er % H) == el).astype(jnp.float32)
    amat = jnp.dot(eh, ay, preferred_element_type=jnp.float32) \
        * jnp.dot(ew, ax, preferred_element_type=jnp.float32)
    out_ref[0, 0] = jnp.dot(feat, amat, preferred_element_type=jnp.float32)


def _fc_kernel(x_ref, w_ref, b_ref, out_ref):
    k = pl.program_id(1)

    @pl.when(k == 0)
    def _init():
        out_ref[...] = jnp.broadcast_to(b_ref[...], out_ref.shape)

    out_ref[...] += jax.lax.dot_general(
        x_ref[...], w_ref[...], (((1,), (1,)), ((), ())),
        preferred_element_type=jnp.float32)


def kernel(features, boxes, scores, image_sizes, W_fc, b_fc):
    B, C, H, W = features.shape
    img_h = image_sizes[0, 0].astype(jnp.float32)
    img_w = image_sizes[0, 1].astype(jnp.float32)
    scale = H / img_h
    neg_inf = jnp.float32(-jnp.inf)

    vals, idx = jax.lax.top_k(scores, PRE_NMS)
    cand = jnp.take_along_axis(boxes, idx[..., None], axis=1)
    cx1 = jnp.clip(cand[..., 0], 0.0, img_w)
    cy1 = jnp.clip(cand[..., 1], 0.0, img_h)
    cx2 = jnp.clip(cand[..., 2], 0.0, img_w)
    cy2 = jnp.clip(cand[..., 3], 0.0, img_h)
    cand = jnp.stack([cx1, cy1, cx2, cy2], axis=-1)
    valid = ((cx2 - cx1) > 1e-3) & ((cy2 - cy1) > 1e-3)
    vals = jnp.where(valid, vals, neg_inf)
    order = jnp.argsort(-vals, axis=-1)
    cand = jnp.take_along_axis(cand, order[..., None], axis=1)
    vals = jnp.take_along_axis(vals, order, axis=1)
    valid = jnp.take_along_axis(valid, order, axis=1)

    pad = NPAD - PRE_NMS
    candp = jnp.pad(cand, ((0, 0), (0, pad), (0, 0)))
    valsp = jnp.pad(vals, ((0, 0), (0, pad)), constant_values=-jnp.inf)
    validp = jnp.pad(valid, ((0, 0), (0, pad)))

    coords = jnp.transpose(candp, (0, 2, 1))
    keep = pl.pallas_call(
        _nms_kernel,
        grid=(B,),
        in_specs=[pl.BlockSpec((1, 4, NPAD), lambda b: (b, 0, 0))],
        out_specs=pl.BlockSpec((1, 1, NPAD), lambda b: (b, 0, 0)),
        out_shape=jax.ShapeDtypeStruct((B, 1, NPAD), jnp.float32),
    )(coords)[:, 0, :]
    keepb = (keep > 0.5) & validp

    ks = jnp.where(keepb, valsp, neg_inf)
    pv, pidx = jax.lax.top_k(ks, POST_NMS)
    mask = (pv > neg_inf).astype(jnp.float32)
    props = jnp.take_along_axis(candp, pidx[..., None], axis=1) * mask[..., None]

    rois = props * scale - 0.5
    rois = jnp.pad(rois, ((0, 0), (0, RPAD - POST_NMS), (0, 0)))
    rois = jnp.repeat(rois, NBINS, axis=1).reshape(B, NRB, ROWS, 4)
    rois = jnp.transpose(rois, (0, 1, 3, 2))
    feat2 = features.reshape(B, C, H * W)
    pooled = pl.pallas_call(
        _roi_kernel,
        grid=(B, NRB),
        in_specs=[
            pl.BlockSpec((1, 1, 4, ROWS), lambda b, rb: (b, rb, 0, 0)),
            pl.BlockSpec((1, C, H * W), lambda b, rb: (b, 0, 0)),
        ],
        out_specs=pl.BlockSpec((1, 1, C, ROWS), lambda b, rb: (b, rb, 0, 0)),
        out_shape=jax.ShapeDtypeStruct((B, NRB, C, ROWS), jnp.float32),
    )(rois, feat2)
    flat = pooled.reshape(B, NRB, C, RBLK, NBINS)
    flat = jnp.transpose(flat, (0, 1, 3, 2, 4)).reshape(B, RPAD, C * NBINS)
    flat = flat[:, :POST_NMS].reshape(B * POST_NMS, C * NBINS)

    M = B * POST_NMS
    K = flat.shape[1]
    N = W_fc.shape[0]
    BN, BK = 128, 896
    b2 = b_fc.reshape(1, N)
    out = pl.pallas_call(
        _fc_kernel,
        grid=(N // BN, K // BK),
        in_specs=[
            pl.BlockSpec((M, BK), lambda n, k: (0, k)),
            pl.BlockSpec((BN, BK), lambda n, k: (n, k)),
            pl.BlockSpec((1, BN), lambda n, k: (0, n)),
        ],
        out_specs=pl.BlockSpec((M, BN), lambda n, k: (0, n)),
        out_shape=jax.ShapeDtypeStruct((M, N), jnp.float32),
    )(flat, W_fc, b2)
    return out

# --- scband reference (transcript-rebuilt; emitter-appended) ---
"""Pipeline reference for scband-region-feature-91104846282871 (READ-ONLY COPY).

The authoritative reference and input builder live on the scoring server;
editing this copy changes nothing except your own understanding.
"""

import jax, jax.numpy as jnp
import numpy as np

PRE_NMS = 1000
POST_NMS = 300
NMS_THRESH = 0.7
OUT_SIZE = 7
RATIO = 2


def box_iou(a, b):
    area_a = (a[:, 2] - a[:, 0]) * (a[:, 3] - a[:, 1])
    area_b = (b[:, 2] - b[:, 0]) * (b[:, 3] - b[:, 1])
    lt = jnp.maximum(a[:, None, :2], b[None, :, :2])
    rb = jnp.minimum(a[:, None, 2:], b[None, :, 2:])
    wh = jnp.clip(rb - lt, 0.0)
    inter = wh[..., 0] * wh[..., 1]
    return inter / (area_a[:, None] + area_b[None, :] - inter + 1e-9)


def nms_mask(boxes, thr):
    # boxes assumed sorted by score descending; greedy suppression
    n = boxes.shape[0]
    iou = box_iou(boxes, boxes)
    idxs = jnp.arange(n)

    def body(i, keep):
        sup = (iou[i] > thr) & (idxs > i) & keep[i]
        return keep & (~sup)

    return jax.lax.fori_loop(0, n, body, jnp.ones((n,), dtype=bool))


def roi_align_one(feat, rois, scale):
    # torchvision RoIAlign, aligned=True, sampling_ratio=2
    C, H, W = feat.shape
    x1 = rois[:, 0] * scale - 0.5
    y1 = rois[:, 1] * scale - 0.5
    x2 = rois[:, 2] * scale - 0.5
    y2 = rois[:, 3] * scale - 0.5
    bin_h = (y2 - y1) / OUT_SIZE
    bin_w = (x2 - x1) / OUT_SIZE
    s = jnp.arange(OUT_SIZE * RATIO)
    frac = (s // RATIO).astype(jnp.float32) + ((s % RATIO).astype(jnp.float32) + 0.5) / RATIO
    ys = y1[:, None] + frac[None, :] * bin_h[:, None]
    xs = x1[:, None] + frac[None, :] * bin_w[:, None]

    def interp(ys_r, xs_r):
        vy = (ys_r >= -1.0) & (ys_r <= H)
        vx = (xs_r >= -1.0) & (xs_r <= W)
        y = jnp.clip(ys_r, 0.0, H - 1)
        x = jnp.clip(xs_r, 0.0, W - 1)
        y0 = jnp.floor(y).astype(jnp.int32)
        y1i = jnp.minimum(y0 + 1, H - 1)
        x0 = jnp.floor(x).astype(jnp.int32)
        x1i = jnp.minimum(x0 + 1, W - 1)
        ly = y - y0
        lx = x - x0
        hy = 1.0 - ly
        hx = 1.0 - lx
        fy0 = feat[:, y0, :]
        fy1 = feat[:, y1i, :]
        f00 = fy0[:, :, x0]
        f01 = fy0[:, :, x1i]
        f10 = fy1[:, :, x0]
        f11 = fy1[:, :, x1i]
        val = (hy[:, None] * hx[None, :]) * f00 + (hy[:, None] * lx[None, :]) * f01 \
            + (ly[:, None] * hx[None, :]) * f10 + (ly[:, None] * lx[None, :]) * f11
        return val * (vy[:, None] & vx[None, :]).astype(val.dtype)

    samples = jax.vmap(interp)(ys, xs)  # [R, C, 14, 14]
    R = rois.shape[0]
    return samples.reshape(R, C, OUT_SIZE, RATIO, OUT_SIZE, RATIO).mean(axis=(3, 5))


def setup_inputs(seed: int = 0):
    key = jax.random.key(seed)
    k1, k2, k3, k4, k5 = jax.random.split(key, 5)
    B, C, H, W = 2, 256, 50, 50
    N = 5000
    features = jax.random.normal(k1, (B, C, H, W), dtype=jnp.float32)
    cxy = jax.random.uniform(k2, (B, N, 2), minval=0.0, maxval=800.0, dtype=jnp.float32)
    wh = jax.random.uniform(k3, (B, N, 2), minval=16.0, maxval=256.0, dtype=jnp.float32)
    x1y1 = jnp.clip(cxy - wh / 2.0, 0.0, 800.0)
    x2y2 = jnp.clip(cxy + wh / 2.0, 0.0, 800.0)
    boxes = jnp.concatenate([x1y1, x2y2], axis=-1)
    scores = jax.random.normal(k4, (B, N), dtype=jnp.float32)
    image_sizes = jnp.full((2, 2), 800, dtype=jnp.int32)
    W_fc = jax.random.normal(k5, (1408, C * OUT_SIZE * OUT_SIZE), dtype=jnp.float32) * 0.01
    b_fc = jnp.zeros((1408,), dtype=jnp.float32)
    return {"features": features, "boxes": boxes, "scores": scores,
            "image_sizes": image_sizes, "W_fc": W_fc, "b_fc": b_fc}


def reference(features, boxes, scores, image_sizes, W_fc, b_fc):
    B, C, H, W = features.shape
    img_h = image_sizes[0, 0].astype(jnp.float32)
    img_w = image_sizes[0, 1].astype(jnp.float32)
    scale = H / img_h

    def per_image(feat_b, bx, sc):
        vals, idx = jax.lax.top_k(sc, PRE_NMS)
        cand = bx[idx]
        cx1 = jnp.clip(cand[:, 0], 0.0, img_w)
        cy1 = jnp.clip(cand[:, 1], 0.0, img_h)
        cx2 = jnp.clip(cand[:, 2], 0.0, img_w)
        cy2 = jnp.clip(cand[:, 3], 0.0, img_h)
        cand = jnp.stack([cx1, cy1, cx2, cy2], axis=1)
        valid = ((cx2 - cx1) > 1e-3) & ((cy2 - cy1) > 1e-3)
        vals = jnp.where(valid, vals, -jnp.inf)
        order = jnp.argsort(-vals)
        cand = cand[order]
        vals = vals[order]
        valid = valid[order]
        keep = nms_mask(jax.lax.stop_gradient(cand), NMS_THRESH) & valid
        ks = jnp.where(keep, vals, -jnp.inf)
        pv, pidx = jax.lax.top_k(ks, POST_NMS)
        mask = (pv > -jnp.inf).astype(jnp.float32)
        props = cand[pidx] * mask[:, None]
        return roi_align_one(feat_b, props, scale)

    pooled = jax.vmap(per_image)(features, boxes, scores)  # [B, 300, C, 7, 7]
    flat = pooled.reshape(B * POST_NMS, C * OUT_SIZE * OUT_SIZE)
    return flat @ W_fc.T + b_fc

if __name__ == "__main__":
    import jax
    _d = setup_inputs()
    print(jax.jit(kernel)(*tuple(_d.values())))

</pallas_src>

<mosaic_0001>
module attributes {stable_mosaic.version = 14 : i64} {
  func.func @_nms_kernel(%arg0: i32, %arg1: memref<1x4x1024xf32, #tpu.memory_space<vmem>>, %arg2: memref<1x1x1024xf32, #tpu.memory_space<vmem>>) attributes {dimension_semantics = [#tpu.dimension_semantics<arbitrary>], iteration_bounds = array<i64: 2>, scalar_prefetch = 0 : i64, scratch_operands = 0 : i64, tpu.core_type = #tpu.core_type<tc>, window_params = [{transform_indices = @transform_0, window_bounds = array<i64: 1, 4, 1024>}, {transform_indices = @transform_1, window_bounds = array<i64: 1, 1, 1024>}]} {
    %get3A = arith.constant 0 : index
    %get3A_0 = arith.constant 0 : index
    %get3A_1 = arith.constant 0 : index
    %get3A_2 = vector.load %arg1[%get3A, %get3A_0, %get3A_1] : memref<1x4x1024xf32, #tpu.memory_space<vmem>>, vector<1x4x1024xf32>
    %get3A_3 = vector.shape_cast %get3A_2 : vector<1x4x1024xf32> to vector<4x1024xf32>
    %slice3A = vector.extract_strided_slice %get3A_3 {offsets = [0, 0], sizes = [1, 1024], strides = [1, 1]} : vector<4x1024xf32> to vector<1x1024xf32>
    %slice3A_4 = vector.extract_strided_slice %get3A_3 {offsets = [1, 0], sizes = [1, 1024], strides = [1, 1]} : vector<4x1024xf32> to vector<1x1024xf32>
    %slice3A_5 = vector.extract_strided_slice %get3A_3 {offsets = [2, 0], sizes = [1, 1024], strides = [1, 1]} : vector<4x1024xf32> to vector<1x1024xf32>
    %slice3A_6 = vector.extract_strided_slice %get3A_3 {offsets = [3, 0], sizes = [1, 1024], strides = [1, 1]} : vector<4x1024xf32> to vector<1x1024xf32>
    %transpose3A = tpu.transpose %slice3A, [1, 0] : vector<1x1024xf32> -> vector<1024x1xf32>
    %transpose3A_7 = tpu.transpose %slice3A_4, [1, 0] : vector<1x1024xf32> -> vector<1024x1xf32>
    %transpose3A_8 = tpu.transpose %slice3A_5, [1, 0] : vector<1x1024xf32> -> vector<1024x1xf32>
    %transpose3A_9 = tpu.transpose %slice3A_6, [1, 0] : vector<1x1024xf32> -> vector<1024x1xf32>
    %sub3A = arith.subf %slice3A_5, %slice3A : vector<1x1024xf32>
    %sub3A_10 = arith.subf %slice3A_6, %slice3A_4 : vector<1x1024xf32>
    %mul3A = arith.mulf %sub3A, %sub3A_10 : vector<1x1024xf32>
    %sub3A_11 = arith.subf %transpose3A_8, %transpose3A : vector<1024x1xf32>
    %sub3A_12 = arith.subf %transpose3A_9, %transpose3A_7 : vector<1024x1xf32>
    %mul3A_13 = arith.mulf %sub3A_11, %sub3A_12 : vector<1024x1xf32>
    %min3A = vector.broadcast %transpose3A_8 : vector<1024x1xf32> to vector<1024x1024xf32>
    %min3A_14 = vector.broadcast %slice3A_5 : vector<1x1024xf32> to vector<1024x1024xf32>
    %min3A_15 = arith.minimumf %min3A, %min3A_14 : vector<1024x1024xf32>
    %max3A = vector.broadcast %transpose3A : vector<1024x1xf32> to vector<1024x1024xf32>
    %max3A_16 = vector.broadcast %slice3A : vector<1x1024xf32> to vector<1024x1024xf32>
    %max3A_17 = arith.maximumf %max3A, %max3A_16 : vector<1024x1024xf32>
    %sub3A_18 = arith.subf %min3A_15, %max3A_17 : vector<1024x1024xf32>
    %jit3A = arith.constant 0.000000e+00 : f32
    %max3A_19 = vector.broadcast %jit3A : f32 to vector<1024x1024xf32>
    %max3A_20 = arith.maximumf %max3A_19, %sub3A_18 : vector<1024x1024xf32>
    %min3A_21 = vector.broadcast %transpose3A_9 : vector<1024x1xf32> to vector<1024x1024xf32>
    %min3A_22 = vector.broadcast %slice3A_6 : vector<1x1024xf32> to vector<1024x1024xf32>
    %min3A_23 = arith.minimumf %min3A_21, %min3A_22 : vector<1024x1024xf32>
    %max3A_24 = vector.broadcast %transpose3A_7 : vector<1024x1xf32> to vector<1024x1024xf32>
    %max3A_25 = vector.broadcast %slice3A_4 : vector<1x1024xf32> to vector<1024x1024xf32>
    %max3A_26 = arith.maximumf %max3A_24, %max3A_25 : vector<1024x1024xf32>
    %sub3A_27 = arith.subf %min3A_23, %max3A_26 : vector<1024x1024xf32>
    %jit3A_28 = arith.constant 0.000000e+00 : f32
    %max3A_29 = vector.broadcast %jit3A_28 : f32 to vector<1024x1024xf32>
    %max3A_30 = arith.maximumf %max3A_29, %sub3A_27 : vector<1024x1024xf32>
    %mul3A_31 = arith.mulf %max3A_20, %max3A_30 : vector<1024x1024xf32>
    %add3A = vector.broadcast %mul3A_13 : vector<1024x1xf32> to vector<1024x1024xf32>
    %add3A_32 = vector.broadcast %mul3A : vector<1x1024xf32> to vector<1024x1024xf32>
    %add3A_33 = arith.addf %add3A, %add3A_32 : vector<1024x1024xf32>
    %sub3A_34 = arith.subf %add3A_33, %mul3A_31 : vector<1024x1024xf32>
    %add3A_35 = arith.constant 9.99999971E-10 : f32
    %add3A_36 = vector.broadcast %add3A_35 : f32 to vector<1024x1024xf32>
    %add3A_37 = arith.addf %sub3A_34, %add3A_36 : vector<1024x1024xf32>
    %div3A = arith.divf %mul3A_31, %add3A_37 : vector<1024x1024xf32>
    %iota3A = tpu.iota {dimensions = array<i32: 0>} : vector<1024x1024xi32>
    %iota3A_38 = tpu.iota {dimensions = array<i32: 1>} : vector<1024x1024xi32>
    %gt3A = arith.constant 0.699999988 : f32
    %gt3A_39 = vector.broadcast %gt3A : f32 to vector<1024x1024xf32>
    %gt3A_40 = arith.cmpf ogt, %div3A, %gt3A_39 : vector<1024x1024xf32>
    %gt3A_41 = arith.cmpi sgt, %iota3A_38, %iota3A : vector<1024x1024xi32>
    %and3A = arith.andi %gt3A_40, %gt3A_41 : vector<1024x1024xi1>
    %convert_element_type3A = arith.extui %and3A : vector<1024x1024xi1> to vector<1024x1024xi32>
    %convert_element_type3A_42 = arith.sitofp %convert_element_type3A : vector<1024x1024xi32> to vector<1024x1024xf32>
    %broadcast_in_dim3A = arith.constant 1.000000e+00 : f32
    %broadcast_in_dim3A_43 = vector.broadcast %broadcast_in_dim3A : f32 to vector<1x1024xf32>
    %while3A = arith.constant true
    %while3A_44:2 = scf.while (%while3A_50 = %broadcast_in_dim3A_43, %while3A_51 = %while3A) : (vector<1x1024xf32>, i1) -> (vector<1x1024xf32>, i1) {
      scf.condition(%while3A_51) %while3A_50, %while3A_51 : vector<1x1024xf32>, i1
    } do {
    ^bb0(%while3A_50: vector<1x1024xf32>, %while3A_51: i1):
      %dot_general3A = arith.constant dense<0.000000e+00> : vector<1x1024xf32>
      %dot_general3A_52 = tpu.matmul %while3A_50, %convert_element_type3A_42, %dot_general3A {dimension_numbers = #tpu.dot_dimension_numbers<[1], [0], [0], [1], [0, 0, 1, 1], [], []>, transpose_lhs_hint = false} : vector<1x1024xf32>, vector<1024x1024xf32>, vector<1x1024xf32> -> vector<1x1024xf32>
      %gt3A_53 = arith.constant 0.000000e+00 : f32
      %gt3A_54 = vector.broadcast %gt3A_53 : f32 to vector<1x1024xf32>
      %gt3A_55 = arith.cmpf ogt, %dot_general3A_52, %gt3A_54 : vector<1x1024xf32>
      %jit3A_56 = arith.constant 0.000000e+00 : f32
      %jit3A_57 = arith.constant 1.000000e+00 : f32
      %broadcast_in_dim3A_58 = vector.broadcast %jit3A_56 : f32 to vector<1x1024xf32>
      %broadcast_in_dim3A_59 = vector.broadcast %jit3A_57 : f32 to vector<1x1024xf32>
      %select_n3A = arith.select %gt3A_55, %broadcast_in_dim3A_58, %broadcast_in_dim3A_59 : vector<1x1024xi1>, vector<1x1024xf32>
      %ne3A = arith.cmpf one, %select_n3A, %while3A_50 : vector<1x1024xf32>
      %reduce_or3A = arith.constant 1.000000e+00 : f32
      %reduce_or3A_60 = arith.constant 0.000000e+00 : f32
      %reduce_or3A_61 = vector.broadcast %reduce_or3A : f32 to vector<1x1024xf32>
      %reduce_or3A_62 = vector.broadcast %reduce_or3A_60 : f32 to vector<1x1024xf32>
      %reduce_or3A_63 = arith.select %ne3A, %reduce_or3A_61, %reduce_or3A_62 : vector<1x1024xi1>, vector<1x1024xf32>
      %reduce_or3A_64 = vector.shape_cast %reduce_or3A_63 : vector<1x1024xf32> to vector<1x1x1024xf32>
      %reduce_or3A_65 = arith.constant dense<0xFF800000> : vector<1xf32>
      %reduce_or3A_66 = vector.multi_reduction <maximumf>, %reduce_or3A_64, %reduce_or3A_65 [1, 2] : vector<1x1x1024xf32> to vector<1xf32>
      %reduce_or3A_67 = vector.shape_cast %reduce_or3A_66 : vector<1xf32> to vector<1x1x1xf32>
      %reduce_or3A_68 = vector.extract %reduce_or3A_67[0, 0, 0] : f32 from vector<1x1x1xf32>
      %reduce_or3A_69 = arith.constant 0.000000e+00 : f32
      %reduce_or3A_70 = arith.cmpf ogt, %reduce_or3A_68, %reduce_or3A_69 : f32
      scf.yield %select_n3A, %reduce_or3A_70 : vector<1x1024xf32>, i1
    }
    %swap3A = arith.constant 0 : index
    %swap3A_45 = arith.constant 0 : index
    %swap3A_46 = arith.constant 0 : index
    %swap3A_47 = vector.load %arg2[%swap3A, %swap3A_45, %swap3A_46] : memref<1x1x1024xf32, #tpu.memory_space<vmem>>, vector<1x1x1024xf32>
    %swap3A_48 = vector.shape_cast %swap3A_47 : vector<1x1x1024xf32> to vector<1x1024xf32>
    %swap3A_49 = vector.shape_cast %while3A_44#0 : vector<1x1024xf32> to vector<1x1x1024xf32>
    tpu.vector_store %arg2[%swap3A, %swap3A_45, %swap3A_46], %swap3A_49 {strides = array<i32>} : memref<1x1x1024xf32, #tpu.memory_space<vmem>>, vector<1x1x1024xf32>,
    return
  }
  func.func @transform_0(%arg0: i32) -> (i32, i32, i32) {
    %c0_i32 = arith.constant 0 : i32
    %c0_i32_0 = arith.constant 0 : i32
    %c0_i32_1 = arith.constant 0 : i32
    return %arg0, %c0_i32, %c0_i32_0 : i32, i32, i32
  }
  func.func @transform_1(%arg0: i32) -> (i32, i32, i32) {
    %c0_i32 = arith.constant 0 : i32
    %c0_i32_0 = arith.constant 0 : i32
    %c0_i32_1 = arith.constant 0 : i32
    return %arg0, %c0_i32, %c0_i32_0 : i32, i32, i32
  }
}

module attributes {stable_mosaic.version = 14 : i64} {
  func.func @_roi_kernel(%arg0: i32, %arg1: i32, %arg2: memref<1x1x4x1176xf32, #tpu.memory_space<vmem>>, %arg3: memref<1x256x2500xf32, #tpu.memory_space<vmem>>, %arg4: memref<1x1x256x1176xf32, #tpu.memory_space<vmem>>) attributes {dimension_semantics = [#tpu.dimension_semantics<arbitrary>, #tpu.dimension_semantics<arbitrary>], iteration_bounds = array<i64: 2, 13>, scalar_prefetch = 0 : i64, scratch_operands = 0 : i64, tpu.core_type = #tpu.core_type<tc>, window_params = [{transform_indices = @transform_0, window_bounds = array<i64: 1, 1, 4, 1176>}, {transform_indices = @transform_1, window_bounds = array<i64: 1, 256, 2500>}, {transform_indices = @transform_2, window_bounds = array<i64: 1, 1, 256, 1176>}]} {
    %get3A = arith.constant 0 : index
    %get3A_0 = arith.constant 0 : index
    %get3A_1 = arith.constant 0 : index
    %get3A_2 = arith.constant 0 : index
    %get3A_3 = vector.load %arg2[%get3A, %get3A_0, %get3A_1, %get3A_2] : memref<1x1x4x1176xf32, #tpu.memory_space<vmem>>, vector<1x1x4x1176xf32>
    %get3A_4 = vector.shape_cast %get3A_3 : vector<1x1x4x1176xf32> to vector<4x1176xf32>
    %slice3A = vector.extract_strided_slice %get3A_4 {offsets = [0, 0], sizes = [1, 1176], strides = [1, 1]} : vector<4x1176xf32> to vector<1x1176xf32>
    %slice3A_5 = vector.extract_strided_slice %get3A_4 {offsets = [1, 0], sizes = [1, 1176], strides = [1, 1]} : vector<4x1176xf32> to vector<1x1176xf32>
    %slice3A_6 = vector.extract_strided_slice %get3A_4 {offsets = [2, 0], sizes = [1, 1176], strides = [1, 1]} : vector<4x1176xf32> to vector<1x1176xf32>
    %slice3A_7 = vector.extract_strided_slice %get3A_4 {offsets = [3, 0], sizes = [1, 1176], strides = [1, 1]} : vector<4x1176xf32> to vector<1x1176xf32>
    %get3A_8 = arith.constant 0 : index
    %get3A_9 = arith.constant 0 : index
    %get3A_10 = arith.constant 0 : index
    %get3A_11 = vector.load %arg3[%get3A_8, %get3A_9, %get3A_10] : memref<1x256x2500xf32, #tpu.memory_space<vmem>>, vector<1x256x2500xf32>
    %get3A_12 = vector.shape_cast %get3A_11 : vector<1x256x2500xf32> to vector<256x2500xf32>
    %iota3A = tpu.iota {dimensions = array<i32: 1>} : vector<1x1176xi32>
    %jit3A = arith.constant 7 : i32
    %div3A = vector.broadcast %jit3A : i32 to vector<1x1176xi32>
    %div3A_13 = arith.divsi %iota3A, %div3A : vector<1x1176xi32>
    %sign3A = arith.constant 0 : i32
    %sign3A_14 = vector.broadcast %sign3A : i32 to vector<1x1176xi32>
    %sign3A_15 = arith.cmpi sgt, %iota3A, %sign3A_14 : vector<1x1176xi32>
    %sign3A_16 = arith.extui %sign3A_15 : vector<1x1176xi1> to vector<1x1176xi32>
    %sign3A_17 = arith.constant 0 : i32
    %sign3A_18 = vector.broadcast %sign3A_17 : i32 to vector<1x1176xi32>
    %sign3A_19 = arith.cmpi slt, %iota3A, %sign3A_18 : vector<1x1176xi32>
    %sign3A_20 = arith.extui %sign3A_19 : vector<1x1176xi1> to vector<1x1176xi32>
    %sign3A_21 = arith.subi %sign3A_16, %sign3A_20 : vector<1x1176xi32>
    %sign3A_22 = arith.constant 0 : i32
    %sign3A_23 = arith.cmpi sgt, %jit3A, %sign3A_22 : i32
    %sign3A_24 = arith.extui %sign3A_23 : i1 to i32
    %sign3A_25 = arith.constant 0 : i32
    %sign3A_26 = arith.cmpi slt, %jit3A, %sign3A_25 : i32
    %sign3A_27 = arith.extui %sign3A_26 : i1 to i32
    %sign3A_28 = arith.subi %sign3A_24, %sign3A_27 : i32
    %ne3A = vector.broadcast %sign3A_28 : i32 to vector<1x1176xi32>
    %ne3A_29 = arith.cmpi ne, %sign3A_21, %ne3A : vector<1x1176xi32>
    %rem3A = vector.broadcast %jit3A : i32 to vector<1x1176xi32>
    %rem3A_30 = arith.remsi %iota3A, %rem3A : vector<1x1176xi32>
    %ne3A_31 = arith.constant 0 : i32
    %ne3A_32 = vector.broadcast %ne3A_31 : i32 to vector<1x1176xi32>
    %ne3A_33 = arith.cmpi ne, %rem3A_30, %ne3A_32 : vector<1x1176xi32>
    %and3A = arith.andi %ne3A_29, %ne3A_33 : vector<1x1176xi1>
    %sub3A = arith.constant 1 : i32
    %sub3A_34 = vector.broadcast %sub3A : i32 to vector<1x1176xi32>
    %sub3A_35 = arith.subi %div3A_13, %sub3A_34 : vector<1x1176xi32>
    %select_n3A = arith.select %and3A, %sub3A_35, %div3A_13 : vector<1x1176xi1>, vector<1x1176xi32>
    %jit3A_36 = arith.constant 7 : i32
    %eq3A = arith.constant 0 : i32
    %eq3A_37 = arith.cmpi eq, %jit3A_36, %eq3A : i32
    %jit3A_38 = arith.constant 1 : i32
    %select_n3A_39 = arith.select %eq3A_37, %jit3A_38, %jit3A_36 : i32
    %rem3A_40 = vector.broadcast %select_n3A_39 : i32 to vector<1x1176xi32>
    %rem3A_41 = arith.remsi %select_n3A, %rem3A_40 : vector<1x1176xi32>
    %ne3A_42 = arith.constant 0 : i32
    %ne3A_43 = vector.broadcast %ne3A_42 : i32 to vector<1x1176xi32>
    %ne3A_44 = arith.cmpi ne, %rem3A_41, %ne3A_43 : vector<1x1176xi32>
    %lt3A = arith.constant 0 : i32
    %lt3A_45 = vector.broadcast %lt3A : i32 to vector<1x1176xi32>
    %lt3A_46 = arith.cmpi slt, %rem3A_41, %lt3A_45 : vector<1x1176xi32>
    %lt3A_47 = arith.constant 0 : i32
    %lt3A_48 = arith.cmpi slt, %select_n3A_39, %lt3A_47 : i32
    %ne3A_49 = vector.broadcast %lt3A_48 : i1 to vector<1x1176xi1>
    %ne3A_50 = vector.broadcast %ne3A_49 : vector<1x1176xi1> to vector<1x1176xi1>
    %ne3A_51 = arith.xori %lt3A_46, %ne3A_50 : vector<1x1176xi1>
    %and3A_52 = arith.andi %ne3A_51, %ne3A_44 : vector<1x1176xi1>
    %add3A = vector.broadcast %select_n3A_39 : i32 to vector<1x1176xi32>
    %add3A_53 = arith.addi %rem3A_41, %add3A : vector<1x1176xi32>
    %select_n3A_54 = arith.select %and3A_52, %add3A_53, %rem3A_41 : vector<1x1176xi1>, vector<1x1176xi32>
    %convert_element_type3A = arith.sitofp %select_n3A_54 : vector<1x1176xi32> to vector<1x1176xf32>
    %jit3A_55 = arith.constant 7 : i32
    %eq3A_56 = arith.constant 0 : i32
    %eq3A_57 = arith.cmpi eq, %jit3A_55, %eq3A_56 : i32
    %jit3A_58 = arith.constant 1 : i32
    %select_n3A_59 = arith.select %eq3A_57, %jit3A_58, %jit3A_55 : i32
    %rem3A_60 = vector.broadcast %select_n3A_59 : i32 to vector<1x1176xi32>
    %rem3A_61 = arith.remsi %iota3A, %rem3A_60 : vector<1x1176xi32>
    %ne3A_62 = arith.constant 0 : i32
    %ne3A_63 = vector.broadcast %ne3A_62 : i32 to vector<1x1176xi32>
    %ne3A_64 = arith.cmpi ne, %rem3A_61, %ne3A_63 : vector<1x1176xi32>
    %lt3A_65 = arith.constant 0 : i32
    %lt3A_66 = vector.broadcast %lt3A_65 : i32 to vector<1x1176xi32>
    %lt3A_67 = arith.cmpi slt, %rem3A_61, %lt3A_66 : vector<1x1176xi32>
    %lt3A_68 = arith.constant 0 : i32
    %lt3A_69 = arith.cmpi slt, %select_n3A_59, %lt3A_68 : i32
    %ne3A_70 = vector.broadcast %lt3A_69 : i1 to vector<1x1176xi1>
    %ne3A_71 = vector.broadcast %ne3A_70 : vector<1x1176xi1> to vector<1x1176xi1>
    %ne3A_72 = arith.xori %lt3A_67, %ne3A_71 : vector<1x1176xi1>
    %and3A_73 = arith.andi %ne3A_72, %ne3A_64 : vector<1x1176xi1>
    %add3A_74 = vector.broadcast %select_n3A_59 : i32 to vector<1x1176xi32>
    %add3A_75 = arith.addi %rem3A_61, %add3A_74 : vector<1x1176xi32>
    %select_n3A_76 = arith.select %and3A_73, %add3A_75, %rem3A_61 : vector<1x1176xi1>, vector<1x1176xi32>
    %convert_element_type3A_77 = arith.sitofp %select_n3A_76 : vector<1x1176xi32> to vector<1x1176xf32>
    %iota3A_78 = tpu.iota {dimensions = array<i32: 0>} : vector<50x1176xi32>
    %sub3A_79 = arith.subf %slice3A_7, %slice3A_5 : vector<1x1176xf32>
    %div3A_80 = arith.constant 7.000000e+00 : f32
    %div3A_81 = vector.broadcast %div3A_80 : f32 to vector<1x1176xf32>
    %div3A_82 = arith.divf %sub3A_79, %div3A_81 : vector<1x1176xf32>
    %broadcast_in_dim3A = arith.constant 0.000000e+00 : f32
    %broadcast_in_dim3A_83 = vector.broadcast %broadcast_in_dim3A : f32 to vector<50x1176xf32>
    %add3A_84 = arith.constant 2.500000e-01 : f32
    %add3A_85 = vector.broadcast %add3A_84 : f32 to vector<1x1176xf32>
    %add3A_86 = arith.addf %convert_element_type3A, %add3A_85 : vector<1x1176xf32>
    %mul3A = arith.mulf %add3A_86, %div3A_82 : vector<1x1176xf32>
    %add3A_87 = arith.addf %slice3A_5, %mul3A : vector<1x1176xf32>
    %ge3A = arith.constant -1.000000e+00 : f32
    %ge3A_88 = vector.broadcast %ge3A : f32 to vector<1x1176xf32>
    %ge3A_89 = arith.cmpf oge, %add3A_87, %ge3A_88 : vector<1x1176xf32>
    %le3A = arith.constant 5.000000e+01 : f32
    %le3A_90 = vector.broadcast %le3A : f32 to vector<1x1176xf32>
    %le3A_91 = arith.cmpf ole, %add3A_87, %le3A_90 : vector<1x1176xf32>
    %and3A_92 = arith.andi %ge3A_89, %le3A_91 : vector<1x1176xi1>
    %convert_element_type3A_93 = arith.extui %and3A_92 : vector<1x1176xi1> to vector<1x1176xi32>
    %convert_element_type3A_94 = arith.sitofp %convert_element_type3A_93 : vector<1x1176xi32> to vector<1x1176xf32>
    %sub3A_95 = arith.constant 5.000000e+01 : f32
    %sub3A_96 = arith.constant 1.000000e+00 : f32
    %sub3A_97 = arith.subf %sub3A_95, %sub3A_96 : f32
    %jit3A_98 = arith.constant 0.000000e+00 : f32
    %max3A = vector.broadcast %jit3A_98 : f32 to vector<1x1176xf32>
    %max3A_99 = arith.maximumf %max3A, %add3A_87 : vector<1x1176xf32>
    %min3A = vector.broadcast %sub3A_97 : f32 to vector<1x1176xf32>
    %min3A_100 = arith.minimumf %min3A, %max3A_99 : vector<1x1176xf32>
    %floor3A = math.floor %min3A_100 : vector<1x1176xf32>
    %convert_element_type3A_101 = arith.fptosi %floor3A : vector<1x1176xf32> to vector<1x1176xi32>
    %add3A_102 = arith.constant 1 : i32
    %add3A_103 = vector.broadcast %add3A_102 : i32 to vector<1x1176xi32>
    %add3A_104 = arith.addi %convert_element_type3A_101, %add3A_103 : vector<1x1176xi32>
    %min3A_105 = arith.constant 49 : i32
    %min3A_106 = vector.broadcast %min3A_105 : i32 to vector<1x1176xi32>
    %min3A_107 = arith.minsi %add3A_104, %min3A_106 : vector<1x1176xi32>
    %sub3A_108 = arith.subf %min3A_100, %floor3A : vector<1x1176xf32>
    %sub3A_109 = arith.constant 1.000000e+00 : f32
    %sub3A_110 = vector.broadcast %sub3A_109 : f32 to vector<1x1176xf32>
    %sub3A_111 = arith.subf %sub3A_110, %sub3A_108 : vector<1x1176xf32>
    %eq3A_112 = vector.broadcast %convert_element_type3A_101 : vector<1x1176xi32> to vector<50x1176xi32>
    %eq3A_113 = arith.cmpi eq, %eq3A_112, %iota3A_78 : vector<50x1176xi32>
    %convert_element_type3A_114 = arith.extui %eq3A_113 : vector<50x1176xi1> to vector<50x1176xi32>
    %convert_element_type3A_115 = arith.sitofp %convert_element_type3A_114 : vector<50x1176xi32> to vector<50x1176xf32>
    %mul3A_116 = vector.broadcast %sub3A_111 : vector<1x1176xf32> to vector<50x1176xf32>
    %mul3A_117 = arith.mulf %mul3A_116, %convert_element_type3A_115 : vector<50x1176xf32>
    %eq3A_118 = vector.broadcast %min3A_107 : vector<1x1176xi32> to vector<50x1176xi32>
    %eq3A_119 = arith.cmpi eq, %eq3A_118, %iota3A_78 : vector<50x1176xi32>
    %convert_element_type3A_120 = arith.extui %eq3A_119 : vector<50x1176xi1> to vector<50x1176xi32>
    %convert_element_type3A_121 = arith.sitofp %convert_element_type3A_120 : vector<50x1176xi32> to vector<50x1176xf32>
    %mul3A_122 = vector.broadcast %sub3A_108 : vector<1x1176xf32> to vector<50x1176xf32>
    %mul3A_123 = arith.mulf %mul3A_122, %convert_element_type3A_121 : vector<50x1176xf32>
    %add3A_124 = arith.addf %mul3A_117, %mul3A_123 : vector<50x1176xf32>
    %mul3A_125 = vector.broadcast %convert_element_type3A_94 : vector<1x1176xf32> to vector<50x1176xf32>
    %mul3A_126 = arith.mulf %add3A_124, %mul3A_125 : vector<50x1176xf32>
    %add3A_127 = arith.addf %broadcast_in_dim3A_83, %mul3A_126 : vector<50x1176xf32>
    %add3A_128 = arith.constant 7.500000e-01 : f32
    %add3A_129 = vector.broadcast %add3A_128 : f32 to vector<1x1176xf32>
    %add3A_130 = arith.addf %convert_element_type3A, %add3A_129 : vector<1x1176xf32>
    %mul3A_131 = arith.mulf %add3A_130, %div3A_82 : vector<1x1176xf32>
    %add3A_132 = arith.addf %slice3A_5, %mul3A_131 : vector<1x1176xf32>
    %ge3A_133 = arith.constant -1.000000e+00 : f32
    %ge3A_134 = vector.broadcast %ge3A_133 : f32 to vector<1x1176xf32>
    %ge3A_135 = arith.cmpf oge, %add3A_132, %ge3A_134 : vector<1x1176xf32>
    %le3A_136 = arith.constant 5.000000e+01 : f32
    %le3A_137 = vector.broadcast %le3A_136 : f32 to vector<1x1176xf32>
    %le3A_138 = arith.cmpf ole, %add3A_132, %le3A_137 : vector<1x1176xf32>
    %and3A_139 = arith.andi %ge3A_135, %le3A_138 : vector<1x1176xi1>
    %convert_element_type3A_140 = arith.extui %and3A_139 : vector<1x1176xi1> to vector<1x1176xi32>
    %convert_element_type3A_141 = arith.sitofp %convert_element_type3A_140 : vector<1x1176xi32> to vector<1x1176xf32>
    %sub3A_142 = arith.constant 5.000000e+01 : f32
    %sub3A_143 = arith.constant 1.000000e+00 : f32
    %sub3A_144 = arith.subf %sub3A_142, %sub3A_143 : f32
    %jit3A_145 = arith.constant 0.000000e+00 : f32
    %max3A_146 = vector.broadcast %jit3A_145 : f32 to vector<1x1176xf32>
    %max3A_147 = arith.maximumf %max3A_146, %add3A_132 : vector<1x1176xf32>
    %min3A_148 = vector.broadcast %sub3A_144 : f32 to vector<1x1176xf32>
    %min3A_149 = arith.minimumf %min3A_148, %max3A_147 : vector<1x1176xf32>
    %floor3A_150 = math.floor %min3A_149 : vector<1x1176xf32>
    %convert_element_type3A_151 = arith.fptosi %floor3A_150 : vector<1x1176xf32> to vector<1x1176xi32>
    %add3A_152 = arith.constant 1 : i32
    %add3A_153 = vector.broadcast %add3A_152 : i32 to vector<1x1176xi32>
    %add3A_154 = arith.addi %convert_element_type3A_151, %add3A_153 : vector<1x1176xi32>
    %min3A_155 = arith.constant 49 : i32
    %min3A_156 = vector.broadcast %min3A_155 : i32 to vector<1x1176xi32>
    %min3A_157 = arith.minsi %add3A_154, %min3A_156 : vector<1x1176xi32>
    %sub3A_158 = arith.subf %min3A_149, %floor3A_150 : vector<1x1176xf32>
    %sub3A_159 = arith.constant 1.000000e+00 : f32
    %sub3A_160 = vector.broadcast %sub3A_159 : f32 to vector<1x1176xf32>
    %sub3A_161 = arith.subf %sub3A_160, %sub3A_158 : vector<1x1176xf32>
    %eq3A_162 = vector.broadcast %convert_element_type3A_151 : vector<1x1176xi32> to vector<50x1176xi32>
    %eq3A_163 = arith.cmpi eq, %eq3A_162, %iota3A_78 : vector<50x1176xi32>
    %convert_element_type3A_164 = arith.extui %eq3A_163 : vector<50x1176xi1> to vector<50x1176xi32>
    %convert_element_type3A_165 = arith.sitofp %convert_element_type3A_164 : vector<50x1176xi32> to vector<50x1176xf32>
    %mul3A_166 = vector.broadcast %sub3A_161 : vector<1x1176xf32> to vector<50x1176xf32>
    %mul3A_167 = arith.mulf %mul3A_166, %convert_element_type3A_165 : vector<50x1176xf32>
    %eq3A_168 = vector.broadcast %min3A_157 : vector<1x1176xi32> to vector<50x1176xi32>
    %eq3A_169 = arith.cmpi eq, %eq3A_168, %iota3A_78 : vector<50x1176xi32>
    %convert_element_type3A_170 = arith.extui %eq3A_169 : vector<50x1176xi1> to vector<50x1176xi32>
    %convert_element_type3A_171 = arith.sitofp %convert_element_type3A_170 : vector<50x1176xi32> to vector<50x1176xf32>
    %mul3A_172 = vector.broadcast %sub3A_158 : vector<1x1176xf32> to vector<50x1176xf32>
    %mul3A_173 = arith.mulf %mul3A_172, %convert_element_type3A_171 : vector<50x1176xf32>
    %add3A_174 = arith.addf %mul3A_167, %mul3A_173 : vector<50x1176xf32>
    %mul3A_175 = vector.broadcast %convert_element_type3A_141 : vector<1x1176xf32> to vector<50x1176xf32>
    %mul3A_176 = arith.mulf %add3A_174, %mul3A_175 : vector<50x1176xf32>
    %add3A_177 = arith.addf %add3A_127, %mul3A_176 : vector<50x1176xf32>
    %mul3A_178 = arith.constant 5.000000e-01 : f32
    %mul3A_179 = vector.broadcast %mul3A_178 : f32 to vector<50x1176xf32>
    %mul3A_180 = arith.mulf %add3A_177, %mul3A_179 : vector<50x1176xf32>
    %sub3A_181 = arith.subf %slice3A_6, %slice3A : vector<1x1176xf32>
    %div3A_182 = arith.constant 7.000000e+00 : f32
    %div3A_183 = vector.broadcast %div3A_182 : f32 to vector<1x1176xf32>
    %div3A_184 = arith.divf %sub3A_181, %div3A_183 : vector<1x1176xf32>
    %broadcast_in_dim3A_185 = arith.constant 0.000000e+00 : f32
    %broadcast_in_dim3A_186 = vector.broadcast %broadcast_in_dim3A_185 : f32 to vector<50x1176xf32>
    %add3A_187 = arith.constant 2.500000e-01 : f32
    %add3A_188 = vector.broadcast %add3A_187 : f32 to vector<1x1176xf32>
    %add3A_189 = arith.addf %convert_element_type3A_77, %add3A_188 : vector<1x1176xf32>
    %mul3A_190 = arith.mulf %add3A_189, %div3A_184 : vector<1x1176xf32>
    %add3A_191 = arith.addf %slice3A, %mul3A_190 : vector<1x1176xf32>
    %ge3A_192 = arith.constant -1.000000e+00 : f32
    %ge3A_193 = vector.broadcast %ge3A_192 : f32 to vector<1x1176xf32>
    %ge3A_194 = arith.cmpf oge, %add3A_191, %ge3A_193 : vector<1x1176xf32>
    %le3A_195 = arith.constant 5.000000e+01 : f32
    %le3A_196 = vector.broadcast %le3A_195 : f32 to vector<1x1176xf32>
    %le3A_197 = arith.cmpf ole, %add3A_191, %le3A_196 : vector<1x1176xf32>
    %and3A_198 = arith.andi %ge3A_194, %le3A_197 : vector<1x1176xi1>
    %convert_element_type3A_199 = arith.extui %and3A_198 : vector<1x1176xi1> to vector<1x1176xi32>
    %convert_element_type3A_200 = arith.sitofp %convert_element_type3A_199 : vector<1x1176xi32> to vector<1x1176xf32>
    %sub3A_201 = arith.constant 5.000000e+01 : f32
    %sub3A_202 = arith.constant 1.000000e+00 : f32
    %sub3A_203 = arith.subf %sub3A_201, %sub3A_202 : f32
    %jit3A_204 = arith.constant 0.000000e+00 : f32
    %max3A_205 = vector.broadcast %jit3A_204 : f32 to vector<1x1176xf32>
    %max3A_206 = arith.maximumf %max3A_205, %add3A_191 : vector<1x1176xf32>
    %min3A_207 = vector.broadcast %sub3A_203 : f32 to vector<1x1176xf32>
    %min3A_208 = arith.minimumf %min3A_207, %max3A_206 : vector<1x1176xf32>
    %floor3A_209 = math.floor %min3A_208 : vector<1x1176xf32>
    %convert_element_type3A_210 = arith.fptosi %floor3A_209 : vector<1x1176xf32> to vector<1x1176xi32>
    %add3A_211 = arith.constant 1 : i32
    %add3A_212 = vector.broadcast %add3A_211 : i32 to vector<1x1176xi32>
    %add3A_213 = arith.addi %convert_element_type3A_210, %add3A_212 : vector<1x1176xi32>
    %min3A_214 = arith.constant 49 : i32
    %min3A_215 = vector.broadcast %min3A_214 : i32 to vector<1x1176xi32>
    %min3A_216 = arith.minsi %add3A_213, %min3A_215 : vector<1x1176xi32>
    %sub3A_217 = arith.subf %min3A_208, %floor3A_209 : vector<1x1176xf32>
    %sub3A_218 = arith.constant 1.000000e+00 : f32
    %sub3A_219 = vector.broadcast %sub3A_218 : f32 to vector<1x1176xf32>
    %sub3A_220 = arith.subf %sub3A_219, %sub3A_217 : vector<1x1176xf32>
    %eq3A_221 = vector.broadcast %convert_element_type3A_210 : vector<1x1176xi32> to vector<50x1176xi32>
    %eq3A_222 = arith.cmpi eq, %eq3A_221, %iota3A_78 : vector<50x1176xi32>
    %convert_element_type3A_223 = arith.extui %eq3A_222 : vector<50x1176xi1> to vector<50x1176xi32>
    %convert_element_type3A_224 = arith.sitofp %convert_element_type3A_223 : vector<50x1176xi32> to vector<50x1176xf32>
    %mul3A_225 = vector.broadcast %sub3A_220 : vector<1x1176xf32> to vector<50x1176xf32>
    %mul3A_226 = arith.mulf %mul3A_225, %convert_element_type3A_224 : vector<50x1176xf32>
    %eq3A_227 = vector.broadcast %min3A_216 : vector<1x1176xi32> to vector<50x1176xi32>
    %eq3A_228 = arith.cmpi eq, %eq3A_227, %iota3A_78 : vector<50x1176xi32>
    %convert_element_type3A_229 = arith.extui %eq3A_228 : vector<50x1176xi1> to vector<50x1176xi32>
    %convert_element_type3A_230 = arith.sitofp %convert_element_type3A_229 : vector<50x1176xi32> to vector<50x1176xf32>
    %mul3A_231 = vector.broadcast %sub3A_217 : vector<1x1176xf32> to vector<50x1176xf32>
    %mul3A_232 = arith.mulf %mul3A_231, %convert_element_type3A_230 : vector<50x1176xf32>
    %add3A_233 = arith.addf %mul3A_226, %mul3A_232 : vector<50x1176xf32>
    %mul3A_234 = vector.broadcast %convert_element_type3A_200 : vector<1x1176xf32> to vector<50x1176xf32>
    %mul3A_235 = arith.mulf %add3A_233, %mul3A_234 : vector<50x1176xf32>
    %add3A_236 = arith.addf %broadcast_in_dim3A_186, %mul3A_235 : vector<50x1176xf32>
    %add3A_237 = arith.constant 7.500000e-01 : f32
    %add3A_238 = vector.broadcast %add3A_237 : f32 to vector<1x1176xf32>
    %add3A_239 = arith.addf %convert_element_type3A_77, %add3A_238 : vector<1x1176xf32>
    %mul3A_240 = arith.mulf %add3A_239, %div3A_184 : vector<1x1176xf32>
    %add3A_241 = arith.addf %slice3A, %mul3A_240 : vector<1x1176xf32>
    %ge3A_242 = arith.constant -1.000000e+00 : f32
    %ge3A_243 = vector.broadcast %ge3A_242 : f32 to vector<1x1176xf32>
    %ge3A_244 = arith.cmpf oge, %add3A_241, %ge3A_243 : vector<1x1176xf32>
    %le3A_245 = arith.constant 5.000000e+01 : f32
    %le3A_246 = vector.broadcast %le3A_245 : f32 to vector<1x1176xf32>
    %le3A_247 = arith.cmpf ole, %add3A_241, %le3A_246 : vector<1x1176xf32>
    %and3A_248 = arith.andi %ge3A_244, %le3A_247 : vector<1x1176xi1>
    %convert_element_type3A_249 = arith.extui %and3A_248 : vector<1x1176xi1> to vector<1x1176xi32>
    %convert_element_type3A_250 = arith.sitofp %convert_element_type3A_249 : vector<1x1176xi32> to vector<1x1176xf32>
    %sub3A_251 = arith.constant 5.000000e+01 : f32
    %sub3A_252 = arith.constant 1.000000e+00 : f32
    %sub3A_253 = arith.subf %sub3A_251, %sub3A_252 : f32
    %jit3A_254 = arith.constant 0.000000e+00 : f32
    %max3A_255 = vector.broadcast %jit3A_254 : f32 to vector<1x1176xf32>
    %max3A_256 = arith.maximumf %max3A_255, %add3A_241 : vector<1x1176xf32>
    %min3A_257 = vector.broadcast %sub3A_253 : f32 to vector<1x1176xf32>
    %min3A_258 = arith.minimumf %min3A_257, %max3A_256 : vector<1x1176xf32>
    %floor3A_259 = math.floor %min3A_258 : vector<1x1176xf32>
    %convert_element_type3A_260 = arith.fptosi %floor3A_259 : vector<1x1176xf32> to vector<1x1176xi32>
    %add3A_261 = arith.constant 1 : i32
    %add3A_262 = vector.broadcast %add3A_261 : i32 to vector<1x1176xi32>
    %add3A_263 = arith.addi %convert_element_type3A_260, %add3A_262 : vector<1x1176xi32>
    %min3A_264 = arith.constant 49 : i32
    %min3A_265 = vector.broadcast %min3A_264 : i32 to vector<1x1176xi32>
    %min3A_266 = arith.minsi %add3A_263, %min3A_265 : vector<1x1176xi32>
    %sub3A_267 = arith.subf %min3A_258, %floor3A_259 : vector<1x1176xf32>
    %sub3A_268 = arith.constant 1.000000e+00 : f32
    %sub3A_269 = vector.broadcast %sub3A_268 : f32 to vector<1x1176xf32>
    %sub3A_270 = arith.subf %sub3A_269, %sub3A_267 : vector<1x1176xf32>
    %eq3A_271 = vector.broadcast %convert_element_type3A_260 : vector<1x1176xi32> to vector<50x1176xi32>
    %eq3A_272 = arith.cmpi eq, %eq3A_271, %iota3A_78 : vector<50x1176xi32>
    %convert_element_type3A_273 = arith.extui %eq3A_272 : vector<50x1176xi1> to vector<50x1176xi32>
    %convert_element_type3A_274 = arith.sitofp %convert_element_type3A_273 : vector<50x1176xi32> to vector<50x1176xf32>
    %mul3A_275 = vector.broadcast %sub3A_270 : vector<1x1176xf32> to vector<50x1176xf32>
    %mul3A_276 = arith.mulf %mul3A_275, %convert_element_type3A_274 : vector<50x1176xf32>
    %eq3A_277 = vector.broadcast %min3A_266 : vector<1x1176xi32> to vector<50x1176xi32>
    %eq3A_278 = arith.cmpi eq, %eq3A_277, %iota3A_78 : vector<50x1176xi32>
    %convert_element_type3A_279 = arith.extui %eq3A_278 : vector<50x1176xi1> to vector<50x1176xi32>
    %convert_element_type3A_280 = arith.sitofp %convert_element_type3A_279 : vector<50x1176xi32> to vector<50x1176xf32>
    %mul3A_281 = vector.broadcast %sub3A_267 : vector<1x1176xf32> to vector<50x1176xf32>
    %mul3A_282 = arith.mulf %mul3A_281, %convert_element_type3A_280 : vector<50x1176xf32>
    %add3A_283 = arith.addf %mul3A_276, %mul3A_282 : vector<50x1176xf32>
    %mul3A_284 = vector.broadcast %convert_element_type3A_250 : vector<1x1176xf32> to vector<50x1176xf32>
    %mul3A_285 = arith.mulf %add3A_283, %mul3A_284 : vector<50x1176xf32>
    %add3A_286 = arith.addf %add3A_236, %mul3A_285 : vector<50x1176xf32>
    %mul3A_287 = arith.constant 5.000000e-01 : f32
    %mul3A_288 = vector.broadcast %mul3A_287 : f32 to vector<50x1176xf32>
    %mul3A_289 = arith.mulf %add3A_286, %mul3A_288 : vector<50x1176xf32>
    %iota3A_290 = tpu.iota {dimensions = array<i32: 0>} : vector<2500x50xi32>
    %iota3A_291 = tpu.iota {dimensions = array<i32: 1>} : vector<2500x50xi32>
    %jit3A_292 = arith.constant 50 : i32
    %div3A_293 = vector.broadcast %jit3A_292 : i32 to vector<2500x50xi32>
    %div3A_294 = arith.divsi %iota3A_290, %div3A_293 : vector<2500x50xi32>
    %sign3A_295 = arith.constant 0 : i32
    %sign3A_296 = vector.broadcast %sign3A_295 : i32 to vector<2500x50xi32>
    %sign3A_297 = arith.cmpi sgt, %iota3A_290, %sign3A_296 : vector<2500x50xi32>
    %sign3A_298 = arith.extui %sign3A_297 : vector<2500x50xi1> to vector<2500x50xi32>
    %sign3A_299 = arith.constant 0 : i32
    %sign3A_300 = vector.broadcast %sign3A_299 : i32 to vector<2500x50xi32>
    %sign3A_301 = arith.cmpi slt, %iota3A_290, %sign3A_300 : vector<2500x50xi32>
    %sign3A_302 = arith.extui %sign3A_301 : vector<2500x50xi1> to vector<2500x50xi32>
    %sign3A_303 = arith.subi %sign3A_298, %sign3A_302 : vector<2500x50xi32>
    %sign3A_304 = arith.constant 0 : i32
    %sign3A_305 = arith.cmpi sgt, %jit3A_292, %sign3A_304 : i32
    %sign3A_306 = arith.extui %sign3A_305 : i1 to i32
    %sign3A_307 = arith.constant 0 : i32
    %sign3A_308 = arith.cmpi slt, %jit3A_292, %sign3A_307 : i32
    %sign3A_309 = arith.extui %sign3A_308 : i1 to i32
    %sign3A_310 = arith.subi %sign3A_306, %sign3A_309 : i32
    %ne3A_311 = vector.broadcast %sign3A_310 : i32 to vector<2500x50xi32>
    %ne3A_312 = arith.cmpi ne, %sign3A_303, %ne3A_311 : vector<2500x50xi32>
    %rem3A_313 = vector.broadcast %jit3A_292 : i32 to vector<2500x50xi32>
    %rem3A_314 = arith.remsi %iota3A_290, %rem3A_313 : vector<2500x50xi32>
    %ne3A_315 = arith.constant 0 : i32
    %ne3A_316 = vector.broadcast %ne3A_315 : i32 to vector<2500x50xi32>
    %ne3A_317 = arith.cmpi ne, %rem3A_314, %ne3A_316 : vector<2500x50xi32>
    %and3A_318 = arith.andi %ne3A_312, %ne3A_317 : vector<2500x50xi1>
    %sub3A_319 = arith.constant 1 : i32
    %sub3A_320 = vector.broadcast %sub3A_319 : i32 to vector<2500x50xi32>
    %sub3A_321 = arith.subi %div3A_294, %sub3A_320 : vector<2500x50xi32>
    %select_n3A_322 = arith.select %and3A_318, %sub3A_321, %div3A_294 : vector<2500x50xi1>, vector<2500x50xi32>
    %eq3A_323 = arith.cmpi eq, %select_n3A_322, %iota3A_291 : vector<2500x50xi32>
    %convert_element_type3A_324 = arith.extui %eq3A_323 : vector<2500x50xi1> to vector<2500x50xi32>
    %convert_element_type3A_325 = arith.sitofp %convert_element_type3A_324 : vector<2500x50xi32> to vector<2500x50xf32>
    %jit3A_326 = arith.constant 50 : i32
    %eq3A_327 = arith.constant 0 : i32
    %eq3A_328 = arith.cmpi eq, %jit3A_326, %eq3A_327 : i32
    %jit3A_329 = arith.constant 1 : i32
    %select_n3A_330 = arith.select %eq3A_328, %jit3A_329, %jit3A_326 : i32
    %rem3A_331 = vector.broadcast %select_n3A_330 : i32 to vector<2500x50xi32>
    %rem3A_332 = arith.remsi %iota3A_290, %rem3A_331 : vector<2500x50xi32>
    %ne3A_333 = arith.constant 0 : i32
    %ne3A_334 = vector.broadcast %ne3A_333 : i32 to vector<2500x50xi32>
    %ne3A_335 = arith.cmpi ne, %rem3A_332, %ne3A_334 : vector<2500x50xi32>
    %lt3A_336 = arith.constant 0 : i32
    %lt3A_337 = vector.broadcast %lt3A_336 : i32 to vector<2500x50xi32>
    %lt3A_338 = arith.cmpi slt, %rem3A_332, %lt3A_337 : vector<2500x50xi32>
    %lt3A_339 = arith.constant 0 : i32
    %lt3A_340 = arith.cmpi slt, %select_n3A_330, %lt3A_339 : i32
    %ne3A_341 = vector.broadcast %lt3A_340 : i1 to vector<2500x50xi1>
    %ne3A_342 = vector.broadcast %ne3A_341 : vector<2500x50xi1> to vector<2500x50xi1>
    %ne3A_343 = arith.xori %lt3A_338, %ne3A_342 : vector<2500x50xi1>
    %and3A_344 = arith.andi %ne3A_343, %ne3A_335 : vector<2500x50xi1>
    %add3A_345 = vector.broadcast %select_n3A_330 : i32 to vector<2500x50xi32>
    %add3A_346 = arith.addi %rem3A_332, %add3A_345 : vector<2500x50xi32>
    %select_n3A_347 = arith.select %and3A_344, %add3A_346, %rem3A_332 : vector<2500x50xi1>, vector<2500x50xi32>
    %eq3A_348 = arith.cmpi eq, %select_n3A_347, %iota3A_291 : vector<2500x50xi32>
    %convert_element_type3A_349 = arith.extui %eq3A_348 : vector<2500x50xi1> to vector<2500x50xi32>
    %convert_element_type3A_350 = arith.sitofp %convert_element_type3A_349 : vector<2500x50xi32> to vector<2500x50xf32>
    %dot_general3A = arith.constant dense<0.000000e+00> : vector<2500x1176xf32>
    %dot_general3A_351 = tpu.matmul %convert_element_type3A_325, %mul3A_180, %dot_general3A {dimension_numbers = #tpu.dot_dimension_numbers<[1], [0], [0], [1], [0, 0, 1, 1], [], []>, transpose_lhs_hint = false} : vector<2500x50xf32>, vector<50x1176xf32>, vector<2500x1176xf32> -> vector<2500x1176xf32>
    %dot_general3A_352 = arith.constant dense<0.000000e+00> : vector<2500x1176xf32>
    %dot_general3A_353 = tpu.matmul %convert_element_type3A_350, %mul3A_289, %dot_general3A_352 {dimension_numbers = #tpu.dot_dimension_numbers<[1], [0], [0], [1], [0, 0, 1, 1], [], []>, transpose_lhs_hint = false} : vector<2500x50xf32>, vector<50x1176xf32>, vector<2500x1176xf32> -> vector<2500x1176xf32>
    %mul3A_354 = arith.mulf %dot_general3A_351, %dot_general3A_353 : vector<2500x1176xf32>
    %dot_general3A_355 = arith.constant dense<0.000000e+00> : vector<256x1176xf32>
    %dot_general3A_356 = tpu.matmul %get3A_12, %mul3A_354, %dot_general3A_355 {dimension_numbers = #tpu.dot_dimension_numbers<[1], [0], [0], [1], [0, 0, 1, 1], [], []>, transpose_lhs_hint = false} : vector<256x2500xf32>, vector<2500x1176xf32>, vector<256x1176xf32> -> vector<256x1176xf32>
    %swap3A = arith.constant 0 : index
    %swap3A_357 = arith.constant 0 : index
    %swap3A_358 = arith.constant 0 : index
    %swap3A_359 = arith.constant 0 : index
    %swap3A_360 = vector.load %arg4[%swap3A, %swap3A_357, %swap3A_358, %swap3A_359] : memref<1x1x256x1176xf32, #tpu.memory_space<vmem>>, vector<1x1x256x1176xf32>
    %swap3A_361 = vector.shape_cast %swap3A_360 : vector<1x1x256x1176xf32> to vector<256x1176xf32>
    %swap3A_362 = vector.shape_cast %dot_general3A_356 : vector<256x1176xf32> to vector<1x1x256x1176xf32>
    tpu.vector_store %arg4[%swap3A, %swap3A_357, %swap3A_358, %swap3A_359], %swap3A_362 {strides = array<i32>} : memref<1x1x256x1176xf32, #tpu.memory_space<vmem>>, vector<1x1x256x1176xf32>,
    return
  }
  func.func @transform_0(%arg0: i32, %arg1: i32) -> (i32, i32, i32, i32) {
    %c0_i32 = arith.constant 0 : i32
    %c0_i32_0 = arith.constant 0 : i32
    %c0_i32_1 = arith.constant 0 : i32
    return %arg0, %arg1, %c0_i32, %c0_i32_0 : i32, i32, i32, i32
  }
  func.func @transform_1(%arg0: i32, %arg1: i32) -> (i32, i32, i32) {
    %c0_i32 = arith.constant 0 : i32
    %c0_i32_0 = arith.constant 0 : i32
    %c0_i32_1 = arith.constant 0 : i32
    return %arg0, %c0_i32, %c0_i32_0 : i32, i32, i32
  }
  func.func @transform_2(%arg0: i32, %arg1: i32) -> (i32, i32, i32, i32) {
    %c0_i32 = arith.constant 0 : i32
    %c0_i32_0 = arith.constant 0 : i32
    %c0_i32_1 = arith.constant 0 : i32
    return %arg0, %arg1, %c0_i32, %c0_i32_0 : i32, i32, i32, i32
  }
}

module attributes {stable_mosaic.version = 14 : i64} {
  func.func @_fc_kernel(%arg0: i32, %arg1: i32, %arg2: memref<600x896xf32, #tpu.memory_space<vmem>>, %arg3: memref<128x896xf32, #tpu.memory_space<vmem>>, %arg4: memref<1x128xf32, #tpu.memory_space<vmem>>, %arg5: memref<600x128xf32, #tpu.memory_space<vmem>>) attributes {dimension_semantics = [#tpu.dimension_semantics<arbitrary>, #tpu.dimension_semantics<arbitrary>], iteration_bounds = array<i64: 11, 14>, scalar_prefetch = 0 : i64, scratch_operands = 0 : i64, tpu.core_type = #tpu.core_type<tc>, window_params = [{transform_indices = @transform_0, window_bounds = array<i64: 600, 896>}, {transform_indices = @transform_1, window_bounds = array<i64: 128, 896>}, {transform_indices = @transform_2, window_bounds = array<i64: 1, 128>}, {transform_indices = @transform_3, window_bounds = array<i64: 600, 128>}]} {
    %eq3A = arith.constant 0 : i32
    %eq3A_0 = arith.cmpi eq, %arg1, %eq3A : i32
    %convert_element_type3A = arith.extui %eq3A_0 : i1 to i32
    %cond3A = arith.constant 0 : i32
    %cond3A_1 = arith.cmpi ne, %convert_element_type3A, %cond3A : i32
    scf.if %cond3A_1 {
      %get3A_13 = arith.constant 0 : index
      %get3A_14 = arith.constant 0 : index
      %get3A_15 = vector.load %arg4[%get3A_13, %get3A_14] : memref<1x128xf32, #tpu.memory_space<vmem>>, vector<1x128xf32>
      %broadcast_in_dim3A = vector.shape_cast %get3A_15 : vector<1x128xf32> to vector<1x128xf32>
      %broadcast_in_dim3A_16 = vector.broadcast %broadcast_in_dim3A : vector<1x128xf32> to vector<600x128xf32>
      %swap3A_17 = arith.constant 0 : index
      %swap3A_18 = arith.constant 0 : index
      %swap3A_19 = vector.load %arg5[%swap3A_17, %swap3A_18] : memref<600x128xf32, #tpu.memory_space<vmem>>, vector<600x128xf32>
      tpu.vector_store %arg5[%swap3A_17, %swap3A_18], %broadcast_in_dim3A_16 {strides = array<i32>} : memref<600x128xf32, #tpu.memory_space<vmem>>, vector<600x128xf32>,
    } else {
    }
    %get3A = arith.constant 0 : index
    %get3A_2 = arith.constant 0 : index
    %get3A_3 = vector.load %arg5[%get3A, %get3A_2] : memref<600x128xf32, #tpu.memory_space<vmem>>, vector<600x128xf32>
    %get3A_4 = arith.constant 0 : index
    %get3A_5 = arith.constant 0 : index
    %get3A_6 = vector.load %arg2[%get3A_4, %get3A_5] : memref<600x896xf32, #tpu.memory_space<vmem>>, vector<600x896xf32>
    %get3A_7 = arith.constant 0 : index
    %get3A_8 = arith.constant 0 : index
    %get3A_9 = vector.load %arg3[%get3A_7, %get3A_8] : memref<128x896xf32, #tpu.memory_space<vmem>>, vector<128x896xf32>
    %dot_general3A = arith.constant dense<0.000000e+00> : vector<600x128xf32>
    %dot_general3A_10 = tpu.matmul %get3A_6, %get3A_9, %dot_general3A {dimension_numbers = #tpu.dot_dimension_numbers<[1], [1], [0], [0], [0, 0, 1, 0], [], []>, transpose_lhs_hint = false} : vector<600x896xf32>, vector<128x896xf32>, vector<600x128xf32> -> vector<600x128xf32>
    %add3A = arith.addf %get3A_3, %dot_general3A_10 : vector<600x128xf32>
    %swap3A = arith.constant 0 : index
    %swap3A_11 = arith.constant 0 : index
    %swap3A_12 = vector.load %arg5[%swap3A, %swap3A_11] : memref<600x128xf32, #tpu.memory_space<vmem>>, vector<600x128xf32>
    tpu.vector_store %arg5[%swap3A, %swap3A_11], %add3A {strides = array<i32>} : memref<600x128xf32, #tpu.memory_space<vmem>>, vector<600x128xf32>,
    return
  }
  func.func @transform_0(%arg0: i32, %arg1: i32) -> (i32, i32) {
    %c0_i32 = arith.constant 0 : i32
    %c0_i32_0 = arith.constant 0 : i32
    return %c0_i32, %arg1 : i32, i32
  }
  func.func @transform_1(%arg0: i32, %arg1: i32) -> (i32, i32) {
    %c0_i32 = arith.constant 0 : i32
    return %arg0, %arg1 : i32, i32
  }
  func.func @transform_2(%arg0: i32, %arg1: i32) -> (i32, i32) {
    %c0_i32 = arith.constant 0 : i32
    %c0_i32_0 = arith.constant 0 : i32
    return %c0_i32, %arg0 : i32, i32
  }
  func.func @transform_3(%arg0: i32, %arg1: i32) -> (i32, i32) {
    %c0_i32 = arith.constant 0 : i32
    %c0_i32_0 = arith.constant 0 : i32
    return %c0_i32, %arg0 : i32, i32
  }
}

</mosaic_0001>

<sc_bundles>
// kernel: gather_offload_async_start.1
scs
__scs_entry_jumppad:
0x0: {  	(pc) =	sbr.rel $0x88, $3  }
0x1: {  	(tag) =	ssettag $0x0;
	lr =	simm.s32 $0x1  }
0x2: {  	[smem:$0x3F9B] =	sst lr;
	_ =	strace $0xD0000000  }
0x3: {  	_ = 	snop  }
0x4: {  	_ = 	snop  }
0x5: {  	_ = 	snop  }
0x6: {  	_ = 	snop  }
0x7: {  	_ = 	snop  }
__scs_overlays_trampoline_lowered:
0x8: {  	[smem:$0x3FAA] =	sst s0  }
0x9: {  	[smem:$0x3FAB] =	sst s1  }
0xa: {  	[smem:$0x3FAC] =	sst s2  }
0xb: {  	[smem:$0x3FAD] =	sst s3  }
0xc: {  	[smem:$0x3FAE] =	sst s4  }
0xd: {  	[smem:$0x3FAF] =	sst s5  }
0xe: {  	[smem:$0x3FB0] =	sst s6  }
0xf: {  	[smem:$0x3FB1] =	sst s7  }
0x10: {  	[smem:$0x3FB2] =	sst s8  }
0x11: {  	[smem:$0x3FB3] =	sst s9;
	s0 =	simm.s32 @!p0 $0x0  }
0x12: {  	s1 =	sld [smem:$0x3F99];
	s0 =	simm.s32 @p0 $0x1  }
0x13: {  	[smem:$0x3FB4] =	sst s0;
	s0 =	simm.s32 @!p1 $0x0  }
0x14: {  	s2 =	sld [smem:$0x3F98];
	s0 =	simm.s32 @p1 $0x1  }
0x15: {  	[smem:$0x3FB5] =	sst s0;
	s0 =	simm.s32 @!p2 $0x0  }
0x16: {  	s3 =	sld [smem:$0x3FDB];
	s0 =	simm.s32 @p2 $0x1  }
0x17: {  	s4 =	simm.s32 $0x1BF5;
	[smem:$0x3FB7] =	sst s0  }
0x18: {  	s0 =	sld [smem:$0x3F9A];
	_ =	swait.ge [sflag:s4], $0x0  }
0x19: {  	s7 =	sld [smem:$0x3F9B]  }
0x1a: {  	s8 =	sadd.s32 $0xFFFFE003, lr  }
0x1b: {  	s9 =	sadd.s32 $0xFFFFFEF7, lr;
	s5 =	simm.s32 $0xFFFFFFFF;
	p2 =	slt.u32 s8, $0xFFFFF086  }
0x1c: {  	p1 =	slt.u32 s9, $0xF7A;
	s5 =	simm.s32 @!p2 $0x0  }
0x1d: {  	s5 =	simm.s32 @p1 $0x1;
	p0 =	seq.s32 s7, s2  }
0x1e: {  	s7 =	smul.u32 @!p0 $0xF7A, s2;
	p2 =	seq.s32 @!p0 s5, $0x0  }
0x1f: {  	s9 =	smul.u32 $0xF7A, s1;
	s8 =	simm.s32 @!p0 $0x1BF5;
	p2 =	por !p2, p0  }
0x20: {  	[sflag:s8] =	ssyncset.s32 @!p0 $0xFFFFF086;
	s6 =	sadd.s32 @!p0 s3, s7;
	s7 =	simm.s32 @!p0 $0x108  }
0x21: {  	s3 =	sadd.s32 s3, s9;
	s6 =	sadd.s32 @!p0 $0x88, s6;
	s7 =	simm.s32 @p2 $0x1082  }
0x22: {  	[simem:s7], [sflag:s8] =	dma.local @!p0 [hbm:s6], $0xF7A  }
0x23: {  	s9 =	sor.u32 $0xD0000000, s2;
	s6 =	simm.s32 $0x108;
	_ =	swait.ge @!p0 [sflag:s8], $0x0  }
0x24: {  	s3 =	sadd.s32 $0x88, s3;
	s6 =	simm.s32 @!p1 $0x1082;
	[sflag:s4] =	ssyncset.s32 $0xFFFFF086  }
0x25: {  	[simem:s6], [sflag:s4] =	dma.local [hbm:s3], $0xF7A  }
0x26: {  	[smem:$0x3F9B] =	sst s1;
	(tag) =	ssettag s2;
	_ =	strace s9  }
0x27: {  	s1 =	sld [smem:$0x3FAB]  }
0x28: {  	s2 =	sld [smem:$0x3FAC]  }
0x29: {  	s4 =	sld [smem:$0x3FAE]  }
0x2a: {  	p0 =	seq.s32 s5, $0x0;
	s5 =	sld [smem:$0x3FAF]  }
0x2b: {  	s6 =	sld [smem:$0x3FB0]  }
0x2c: {  	s7 =	sld [smem:$0x3FB1]  }
0x2d: {  	s3 =	simm.s32 $0x108;
	s8 =	sld [smem:$0x3FB2]  }
0x2e: {  	s3 =	simm.s32 @!p0 $0x1082;
	s9 =	sld [smem:$0x3FB3]  }
0x2f: {  	lr =	sadd.s32 s0, s3;
	s0 =	sld [smem:$0x3FAA]  }
0x30: {  	s3 =	sld [smem:$0x3FAD]  }
0x31: {  	[smem:$0x3FB6] =	sst s10  }
0x32: {  	s10 =	sld [smem:$0x3FB4];
	_ =	sdelay $0x3  }
0x33: {  	p0 =	seq.s32 s10, $0x1;
	s10 =	sld [smem:$0x3FB6];
	_ =	sdelay $0x3  }
0x34: {  	[smem:$0x3FB6] =	sst s10  }
0x35: {  	s10 =	sld [smem:$0x3FB5];
	_ =	sdelay $0x3  }
0x36: {  	p1 =	seq.s32 s10, $0x1;
	s10 =	sld [smem:$0x3FB6];
	_ =	sdelay $0x3  }
0x37: {  	[smem:$0x3FB6] =	sst s10  }
0x38: {  	s10 =	sld [smem:$0x3FB7]  }
0x39: {  	_ = 	snop;
	(pc) =	sbr.ind lr, $3  }
0x3a: {  	_ = 	snop  }
0x3b: {  	_ = 	snop  }
0x3c: {  	p2 =	seq.s32 s10, $0x1;
	s10 =	sld [smem:$0x3FB6]  }
0x3d: {  	_ =	shalt  }
0x3e: {  	_ =	shalt  }
0x3f: {  	_ =	shalt  }
0x40: {  	_ =	shalt  }
0x41: {  	_ =	shalt  }
0x42: {  	_ =	shalt  }
0x43: {  	_ =	shalt  }
0x44: {  	_ =	shalt  }
0x45: {  	_ =	shalt  }
0x46: {  	_ =	shalt  }
0x47: {  	_ =	shalt  }
0x48: {  	_ =	shalt  }
0x49: {  	_ =	shalt  }
0x4a: {  	_ =	shalt  }
0x4b: {  	_ =	shalt  }
0x4c: {  	_ =	shalt  }
0x4d: {  	_ =	shalt  }
0x4e: {  	_ =	shalt  }
0x4f: {  	_ =	shalt  }
0x50: {  	_ =	shalt  }
0x51: {  	_ =	shalt  }
0x52: {  	_ =	shalt  }
0x53: {  	_ =	shalt  }
0x54: {  	_ =	shalt  }
0x55: {  	_ =	shalt  }
0x56: {  	_ =	shalt  }
0x57: {  	_ =	shalt  }
0x58: {  	_ =	shalt  }
0x59: {  	_ =	shalt  }
0x5a: {  	_ =	shalt  }
0x5b: {  	_ =	shalt  }
0x5c: {  	_ =	shalt  }
0x5d: {  	_ =	shalt  }
0x5e: {  	_ =	shalt  }
0x5f: {  	_ =	shalt  }
0x60: {  	_ =	shalt  }
0x61: {  	_ =	shalt  }
0x62: {  	_ =	shalt  }
0x63: {  	_ =	shalt  }
0x64: {  	_ =	shalt  }
0x65: {  	_ =	shalt  }
0x66: {  	_ =	shalt  }
0x67: {  	_ =	shalt  }
0x68: {  	_ =	shalt  }
0x69: {  	_ =	shalt  }
0x6a: {  	_ =	shalt  }
0x6b: {  	_ =	shalt  }
0x6c: {  	_ =	shalt  }
0x6d: {  	_ =	shalt  }
0x6e: {  	_ =	shalt  }
0x6f: {  	_ =	shalt  }
0x70: {  	_ =	shalt  }
0x71: {  	_ =	shalt  }
0x72: {  	_ =	shalt  }
0x73: {  	_ =	shalt  }
0x74: {  	_ =	shalt  }
0x75: {  	_ =	shalt  }
0x76: {  	_ =	shalt  }
0x77: {  	_ =	shalt  }
0x78: {  	_ =	shalt  }
0x79: {  	_ =	shalt  }
0x7a: {  	_ =	shalt  }
0x7b: {  	_ =	shalt  }
0x7c: {  	_ =	shalt  }
0x7d: {  	_ =	shalt  }
0x7e: {  	_ =	shalt  }
0x7f: {  	_ =	shalt  }
0x80: {  	_ =	shalt  }
0x81: {  	_ =	shalt  }
0x82: {  	_ =	shalt  }
0x83: {  	_ =	shalt  }
0x84: {  	_ =	shalt  }
0x85: {  	_ =	shalt  }
0x86: {  	_ =	shalt  }
0x87: {  	_ =	shalt  }
.Lfunc_end0:
.L_simem_size_0:
called_computation.1_lowered:
.L_overlay_start_0:
0x88: {  	s0 =	sld [smem:$0x3FD9]  }
0x89: {  	s1 =	sld [smem:$0x3FFE];
	_ =	sdelay $0x3  }
0x8a: {  	s0 =	sadd.s32 s1, s0  }
0x8b: {  	[smem:$0x3FC2] =	sst s0  }
0x8c: {  	_ = 	snop  }
0x8d: {  	s0 =	sld [smem:$0x3FD0];
	(tm) =	ssettm $0x1  }
0x8e: {  	s16 =	sld [smem:$0x3FFB];
	_ =	sdelay $0x3  }
0x8f: {  	_ =	strace s16  }
0x90: {  	s1 =	sld [smem:$0x3FFC];
	_ =	sdelay $0x3  }
0x91: {  	_ =	strace s1  }
0x92: {  	s1 =	sld [smem:$0x3FFD];
	_ =	sdelay $0x3  }
0x93: {  	_ =	strace s1  }
0x94: {  	_ =	strace $0x8FFFFFFF  }
0x95: {  	s17 =	sld [smem:$0x3FDB];
	_ =	sdelay $0x1  }
0x96: {  	s2 =	simm.s32 $_scs_section_size  }
0x97: {  	s3 =	simm.s32 $_size__tile_overlayer_lowered;
	s4 =	simm.s32 $_tile_overlayer_lowered  }
0x98: {  	s20 =	simm.s32 $0x1BFF;
	s19 =	sshll.u32 s4, $0x1;
	s1 =	sadd.s32 s2, s17  }
0x99: {  	s5 =	simm.s32 $0x0;
	s18 =	sshll.u32 s3, $0x1;
	s3 =	sadd.s32 s19, s1  }
0x9a: {  	[timem:s5], [sflag:s20] =	dma.local [hbm:s3], s18  }
0x9b: {  	_ =	swait.ge [sflag:s20], s18  }
0x9c: {  	s2 =	ssub.s32 $0x0, s18;
	[sflag:s20] =	ssyncset.done $0x0  }
0x9d: {  	[sflag:s20] =	ssyncadd.s32 s2;
	_ =	sdelay $0x1  }
0x9e: {  	s21 =	simm.s32 $0x1B8B  }
0x9f: {  	_ =	swait.ge [sflag:s21], $0x1  }
0xa0: {  	[sflag:s21] =	ssyncset.done $0x0  }
0xa1: {  	s23 =	simm.s32 $0x1B8E;
	s22 =	sld [smem:$0x3FFE];
	[sflag:s21] =	ssyncadd.s32 $0xFFFFFFFF  }
0xa2: {  	s24 =	simm.s32 $execute0_lowered;
	[smem:$0x3FD2] =	sst s23  }
0xa3: {  	s3 =	sshll.u32 s24, $0x1;
	_ =	strace $0x8000004F;
	[dreg:$0x1] =	wrdreg $0xFFFFFFFF  }
0xa4: {  	s25 =	simm.s32 $_size_execute0_lowered;
	s1 =	sadd.s32 s1, s3;
	[dreg:$0x0] =	wrdreg $0x0  }
0xa5: {  	s3 =	sshll.u32 s25, $0x1;
	[dreg:$0x2] =	wrdreg s1  }
0xa6: {  	[dreg:$0x3] =	wrdreg s3  }
0xa7: {  	[dreg:$0x4] =	wrdreg $0xC0  }
0xa8: {  	_ =	task [dreg:s5], $0x5FFFF  }
0xa9: {  	[dreg:$0x1] =	wrdreg $0xFFFFFFFF  }
0xaa: {  	[dreg:$0x0] =	wrdreg $0x60  }
0xab: {  	[dreg:$0x2] =	wrdreg s0  }
0xac: {  	[dreg:$0x3] =	wrdreg s22  }
0xad: {  	[dreg:$0x4] =	wrdreg $0x9  }
0xae: {  	_ =	task.clear_ibuf [dreg:s5], $0x5FFFF;
	_ =	strace $0x9000004F  }
0xaf: {  	s26 =	simm.s32 $0x9;
	_ =	strace $0x80000051  }
0xb0: {  	_ =	swait.ge [sflag:s26], $0x1  }
0xb1: {  	[sflag:s26] =	ssyncadd.s32 $0xFFFFFFFF  }
0xb2: {  	_ =	strace $0x90000051  }
0xb3: {  	_ =	sfence  }
0xb4: {  	s28 =	sld [smem:$0x0];
	_ =	sdelay $0x1  }
0xb5: {  	s29 =	srdreg.scid  }
0xb6: {  	s30 =	sshll.u32 s29, $0xD;
	s31 =	sshrl.u32 s29, $0x2  }
0xb7: {  	s2 =	sand.u32 $0x4000, s30;
	s1 =	sand.u32 $0x1, s29;
	s0 =	sadd.s32 s31, s28  }
0xb8: {  	s1 =	sor.u32 s2, s1;
	s0 =	sshll.u32 s0, $0x11  }
0xb9: {  	s0 =	sor.u32 s0, s1  }
0xba: {  	s0 =	sadd.s32 $0x8F2B, s0  }
0xbb: {  	[sflag:s0] =	ssyncadd.remote.s32 $0x1  }
0xbc: {  	_ =	sfence.sel $0xFFFF  }
0xbd: {  	[dreg:$0x0] =	wrdreg $0xFFFFFFFF;
	(pc) =	sbr.abs _section_cstart, $3  }
0xbe: {  	[dreg:$0x1] =	wrdreg $0xFFFFFFFF  }
0xbf: {  	_ =	task.clear_ibuf [dreg:s5], $0x2FFFF;
	_ =	strace $0x9FFFFFFF  }
0xc0: {  	(tm) =	ssettm $0x7FFFFFFF  }
0xc1: {  	_ =	shalt  }
tec
execute0_lowered:
.L_overlay_start_1:
0x0: {  	(tag) =	ssettag $0x1  }
0x1: {  	s0 =	stileid.u32  }
0x2: {  	s1 =	smin.u32 s0, $0x9  }
0x3: {  	s1 =	sadd.s32 s0, s1  }
0x4: {  	s2 =	simm.s32 $0xA0;
	p0 =	slt.u32 s0, $0x9;
	s1 =	smul.u32 $0x50, s1  }
0x5: {  	s2 =	simm.s32 @!p0 $0x50  }
0x6: {  	s2 =	sadd.s32 s2, s1  }
0x7: {  	s3 =	smin.u32 s2, $0x7D0  }
0x8: {  	s7 =	ssub.s32 s3, s1  }
0x9: {  	p0 =	sgt.s32 s7, $0x0  }
0xa: {  	s7 =	simm.s32 @!p0 $0x0  }
0xb: {  	s4 =	rddreg [dreg:$0x0];
	s31 =	smul.u32 $0xCCCD, s7  }
0xc: {  	s9 =	rddreg [dreg:$0x1];
	s6 =	simm.s32 $0x1  }
0xd: {  	s11 =	simm.s32 $0x3;
	s13 =	simm.s32 $0x0;
	s8 =	sshrl.u32 s31, $0x16  }
0xe: {  	s12 =	simm.s32 $0x0;
	s5 =	sadd.s32 $0x400, s9;
	s10 =	smul.u32 $0x50, s8  }
.Ltmp0:
0xf: {  	s9 =	sadd.s32 $0x600, s9;
	s2 =	rddreg [dreg:$0x2];
	(pc) =	sbr.rel .LBB2_1-.Ltmp0, $4  }
0x10: {  	_ =	strace $0x80000050;
	p0 =	sne.s32 s7, s10;
	s10 =	simm.s32 $0x1  }
0x11: {  	[sflag:s6] =	ssyncpa.u1 $0x0;
	s7 =	simm.s32 $0x2;
	s10 =	simm.s32 @!p0 $0x0  }
0x12: {  	[sflag:s7] =	ssyncpa.u1 $0x0;
	p0 =	por $0x0, $0x0;
	s8 =	sadd.s32 s8, s10  }
0x13: {  	v0 =	vimm.s32 $0x0;
	vm0 =	vmmov $0xff;
	vm1 =	vcmask $0x3F20;
	[sflag:s11] =	ssyncpa.u1 $0x0;
	s11 =	smov.u32 s1;
	s10 =	sadd.s32 $0x1, s8  }
.LBB2_6:
0x14: {  	[hbm:s17] =	stream.linear.scatter [tilespmem:s14], [sflag:$0x3], $0x400, $0x38;
	[tilespmem:$0x50A0] =	vst v63  }
.LBB2_7:
0x15: {  	s13 =	sadd.s32 $0x50, s11  }
0x16: {  	s15 =	smov.u32 s1;
	p2 =	slt.s32 s13, s3  }
0x17: {  	s15 =	smov.u32 @p2 s13;
	p2 =	sne.s32 s12, s10  }
.Ltmp1:
0x18: {  	p1 =	slt.u32 s12, $0x2;
	(pc) =	sbr.rel @!p2 .LBB2_8-.Ltmp1, $4  }
0x19: {  	s14 =	simm.s32 @!p1 $0x3  }
0x1a: {  	s16 =	sadd.s32 $0x1, s12;
	_ =	swait.ge @!p1 [sflag:s14], $0x2800  }
0x1b: {  	p0 =	por !p0, !p0;
	s13 =	smov.u32 s11;
	[sflag:s14] =	ssyncset.done @!p1 $0x0  }
0x1c: {  	s12 =	smov.u32 s16;
	s11 =	smov.u32 s15;
	[sflag:s14] =	ssyncadd.s32 @!p1 $0xFFFFD800  }
.LBB2_1:
0x1d: {  	p1 =	sge.u32 s12, s8  }
0x1e: {  	s14 =	sxor.u32 @!p1 $0xFFFFFFFF, s12  }
0x1f: {  	s14 =	sand.u32 @!p1 $0x1, s14  }
0x20: {  	s14 =	smul.u32 @!p1 $0x140, s14  }
0x21: {  	s31 =	sadd.s32 $0xFFFFFFFF, s12;
	s15 =	sshrl.u32 @!p1 s11, $0x3  }
0x22: {  	s16 =	sand.u32 @!p1 $0x7, s11;
	s15 =	sadd.s32 @!p1 s5, s15;
	s14 =	sshrl.u32 @!p1 s14, $0x2  }
0x23: {  	[tilespmem:s14], [sflag:$0x2] =	stream.linear.gather @!p1 [hbm4b:s15+s16], $0x50, $0x38;
	[tilespmem:$0x50A0] =	vst v63  }
0x24: {  	p1 =	sge.u32 s31, s8  }
.Ltmp2:
0x25: {  	_ = 	snop;
	(pc) =	sbr.rel @p1 .LBB2_7-.Ltmp2, $1  }
0x26: {  	_ =	sdelay $0x3  }
0x27: {  	s14 =	simm.s32 $0x1  }
0x28: {  	s14 =	simm.s32 @!p0 $0x0  }
0x29: {  	s15 =	smul.u32 $0x140, s14  }
0x2a: {  	_ =	swait.ge [sflag:s7], $0x50  }
0x2b: {  	[sflag:s7] =	ssyncset.done $0x0;
	s16 =	sshrl.u32 s15, $0x2  }
0x2c: {  	[sflag:s7] =	ssyncadd.s32 $0xFFFFFFB0;
	s15 =	sadd.s32 $0x0, s16  }
0x2d: {  	v1 =	vld.msk [tilespmem:s15+$0x0 ss:$0x1], $0xffff;
	_ =	sdelay $0x4  }
0x2e: {  	v2 =	vand.u32 $0x1, v1;
	v3 =	vshll.u32 v1, $0x6  }
0x2f: {  	vm2 =	veq.s32 v1, $0x80000000;
	vm3 =	veq.s32 v2, $0x1;
	v1 =	vand.u32 $0x1FF80, v3  }
0x30: {  	v2 =	vsel vm3, $0x1F400, v0;
	v1 =	vsel vm2, $0xFFFFFF80, v1  }
0x31: {  	v2 =	vsel vm2, $0xFFFE0C00, v2;
	v3 =	vand.u32 $0xFFFFFC00, v1  }
0x32: {  	v1 =	vand.u32 $0x380, v1;
	v2 =	vadd.s32 v2, v3  }
0x33: {  	v1 =	vor.u32 v1, v2  }
0x34: {  	v1 =	vshrl.u32 v1, $0x3  }
0x35: {  	s14 =	smul.u32 $0xA000, s14;
	_ =	sdelay $0x1  }
0x36: {  	s14 =	sshrl.u32 s14, $0x2  }
0x37: {  	s14 =	sor.u32 $0xA0, s14  }
0x38: {  	[tilespmem:s14], [sflag:$0x1] =	stream.indirect_vreg.gather [hbm:s4], $0x80, v1, vm0, $0x38;
	[tilespmem:$0x50A0] =	vst v63  }
0x39: {  	s17 =	sadd.s32 $0x10, s16;
	s15 =	sadd.s32 $0x400, s14  }
0x3a: {  	[tilespmem:s15], [sflag:$0x1] =	stream.indirect_vreg.gather [hbm:s4], $0x80, v1, vm1, $0x38;
	[tilespmem:$0x50A0] =	vst v63  }
0x3b: {  	s18 =	simm.s32 $0x80;
	v1 =	vld.msk [tilespmem:s17+$0x0 ss:$0x1], $0xffff;
	s17 =	smov.u32 s14  }
.LBB2_3:
0x3c: {  	p1 =	sne.s32 s18, $0x100;
	_ =	sdelay $0x4  }
0x3d: {  	v2 =	vand.u32 $0x1, v1;
	v3 =	vshll.u32 v1, $0x6  }
0x3e: {  	vm2 =	veq.s32 v1, $0x80000000;
	vm3 =	veq.s32 v2, $0x1;
	v1 =	vand.u32 $0x1FF80, v3  }
0x3f: {  	v2 =	vsel vm3, $0x1F400, v0;
	v1 =	vsel vm2, $0xFFFFFF80, v1  }
0x40: {  	v2 =	vsel vm2, $0xFFFE0C00, v2;
	v3 =	vand.u32 $0xFFFFFC00, v1  }
0x41: {  	v1 =	vand.u32 $0x380, v1;
	v2 =	vadd.s32 v2, v3  }
0x42: {  	v1 =	vor.u32 v1, v2  }
0x43: {  	v1 =	vshrl.u32 v1, $0x3;
	_ =	sdelay $0x3  }
.Ltmp3:
0x44: {  	s19 =	sshra.s32 s18, $0x2;
	s17 =	sadd.s32 $0x800, s17;
	(pc) =	sbr.rel @p1 .LBB2_3-.Ltmp3, $4  }
0x45: {  	[tilespmem:s17], [sflag:$0x1] =	stream.indirect_vreg.gather [hbm:s4], $0x80, v1, vm0, $0x38;
	[tilespmem:$0x50A0] =	vst v63  }
0x46: {  	s19 =	sadd.s32 s19, s16;
	s20 =	sadd.s32 $0x400, s17  }
0x47: {  	[tilespmem:s20], [sflag:$0x1] =	stream.indirect_vreg.gather [hbm:s4], $0x80, v1, vm1, $0x38;
	[tilespmem:$0x50A0] =	vst v63  }
0x48: {  	s18 =	sadd.s32 $0x40, s18;
	v1 =	vld.msk [tilespmem:s19+$0x0 ss:$0x1], $0xffff  }
0x49: {  	_ =	sdelay $0x3  }
0x4a: {  	v2 =	vand.u32 $0x1, v1;
	v3 =	vshll.u32 v1, $0x6  }
0x4b: {  	vm2 =	veq.s32 v1, $0x80000000;
	vm3 =	veq.s32 v2, $0x1;
	v1 =	vand.u32 $0x1FF80, v3  }
0x4c: {  	v2 =	vsel vm3, $0x1F400, v0;
	v1 =	vsel vm2, $0xFFFFFF80, v1  }
0x4d: {  	v2 =	vsel vm2, $0xFFFE0C00, v2;
	v3 =	vand.u32 $0xFFFFFC00, v1  }
0x4e: {  	v1 =	vand.u32 $0x380, v1;
	v2 =	vadd.s32 v2, v3  }
0x4f: {  	v1 =	vor.u32 v1, v2  }
0x50: {  	v1 =	vshrl.u32 v1, $0x3;
	_ =	sdelay $0x3  }
0x51: {  	s16 =	sadd.s32 $0x800, s17  }
0x52: {  	[tilespmem:s16], [sflag:$0x1] =	stream.indirect_vreg.gather [hbm:s4], $0x80, v1, vm0, $0x38;
	[tilespmem:$0x50A0] =	vst v63  }
0x53: {  	s16 =	sadd.s32 $0x400, s16  }
0x54: {  	[tilespmem:s16], [sflag:$0x1] =	stream.indirect_vreg.gather [hbm:s4], $0x80, v1, vm1, $0x38;
	[tilespmem:$0x50A0] =	vst v63  }
0x55: {  	s13 =	sshll.u32 s13, $0x4;
	_ =	swait.ge [sflag:s6], $0x2800  }
0x56: {  	s13 =	sadd.s32 s13, s9;
	[sflag:s6] =	ssyncset.done $0x0  }
0x57: {  	s17 =	sadd.s32 $0x0, s13;
	s16 =	simm.s32 $0x80;
	[sflag:s6] =	ssyncadd.s32 $0xFFFFD800  }
.LBB2_5:
0x58: {  	[hbm:s17] =	stream.linear.scatter [tilespmem:s14], [sflag:$0x3], $0x400, $0x38;
	[tilespmem:$0x50A0] =	vst v63  }
0x59: {  	s17 =	smov.u32 s16;
	s14 =	smov.u32 s15;
	p1 =	sne.s32 s16, $0x480  }
.Ltmp4:
0x5a: {  	s16 =	sadd.s32 $0x80, s16;
	(pc) =	sbr.rel @p1 .LBB2_5-.Ltmp4, $2  }
0x5b: {  	_ =	sdelay $0x2  }
0x5c: {  	s15 =	sadd.s32 $0x400, s15;
	s17 =	sadd.s32 s17, s13  }
.Ltmp5:
0x5d: {  	_ = 	snop;
	(pc) =	sbr.rel .LBB2_6-.Ltmp5, $1  }
0x5e: {  	_ =	sdelay $0x3  }
.LBB2_8:
0x5f: {  	_ =	sfence.sel $0x180000  }
0x60: {  	s1 =	simm.s32 $0x2;
	[bflag:$0x0] =	sbarrier.arrive $0xFFFF  }
0x61: {  	s30 =	simm.s32 $0x3;
	[sflag:s1] =	ssyncpa.u1 $0x1  }
0x62: {  	s31 =	simm.s32 $0x1;
	[sflag:s30] =	ssyncpa.u1 $0x1  }
0x63: {  	[sflag:s31] =	ssyncpa.u1 $0x1  }
0x64: {  	p0 =	sne.s32 s0, $0x0;
	_ =	strace $0x90000050  }
0x65: {  	s0 =	sadd.s32 @!p0 $0x100000, s2;
	[bflag:$0x2] =	sbarrier.arrive $0xFFFF  }
0x66: {  	[sflag:s0] =	ssyncadd.tile.s32 @!p0 $0x1;
	_ =	shalt  }
.Lfunc_end2:
_tile_overlayer_lowered:
.L_overlay_start_2:
0x67: {  	(tag) =	ssettag $0x2  }
0x68: {  	s0 =	rddreg [dreg:$0x0];
	s2 =	stileid.u32  }
0x69: {  	s1 =	rddreg [dreg:$0x1];
	p0 =	sne.s32 s2, $0x0  }
0x6a: {  	s3 =	rddreg [dreg:$0x2];
	[bflag:$0x3] =	sbarrier.arrive $0xFFFF;
	s2 =	simm.s32 @!p0 $0x1C01  }
0x6b: {  	[timem:s3], [sflag:s2] =	dma.local @!p0 [hbm:s0], s1  }
0x6c: {  	s0 =	simm.s32 @!p0 $0x1  }
0x6d: {  	_ =	swait.ge @!p0 [sflag:s0], s1  }
0x6e: {  	s1 =	ssub.s32 @!p0 $0x0, s1;
	[sflag:s0] =	ssyncset.done @!p0 $0x0  }
0x6f: {  	[sflag:s0] =	ssyncadd.s32 @!p0 s1  }
0x70: {  	[bflag:$0x3] =	sbarrier.arrive $0xFFFF  }
0x71: {  	_ =	shalt  }

// kernel: gather_offload_async_start.2
scs
__scs_entry_jumppad:
0x0: {  	(pc) =	sbr.rel $0x88, $3  }
0x1: {  	(tag) =	ssettag $0x0;
	lr =	simm.s32 $0x1  }
0x2: {  	[smem:$0x3F9B] =	sst lr;
	_ =	strace $0xD0000000  }
0x3: {  	_ = 	snop  }
0x4: {  	_ = 	snop  }
0x5: {  	_ = 	snop  }
0x6: {  	_ = 	snop  }
0x7: {  	_ = 	snop  }
__scs_overlays_trampoline_lowered:
0x8: {  	[smem:$0x3FAA] =	sst s0  }
0x9: {  	[smem:$0x3FAB] =	sst s1  }
0xa: {  	[smem:$0x3FAC] =	sst s2  }
0xb: {  	[smem:$0x3FAD] =	sst s3  }
0xc: {  	[smem:$0x3FAE] =	sst s4  }
0xd: {  	[smem:$0x3FAF] =	sst s5  }
0xe: {  	[smem:$0x3FB0] =	sst s6  }
0xf: {  	[smem:$0x3FB1] =	sst s7  }
0x10: {  	[smem:$0x3FB2] =	sst s8  }
0x11: {  	[smem:$0x3FB3] =	sst s9;
	s0 =	simm.s32 @!p0 $0x0  }
0x12: {  	s1 =	sld [smem:$0x3F99];
	s0 =	simm.s32 @p0 $0x1  }
0x13: {  	[smem:$0x3FB4] =	sst s0;
	s0 =	simm.s32 @!p1 $0x0  }
0x14: {  	s2 =	sld [smem:$0x3F98];
	s0 =	simm.s32 @p1 $0x1  }
0x15: {  	[smem:$0x3FB5] =	sst s0;
	s0 =	simm.s32 @!p2 $0x0  }
0x16: {  	s3 =	sld [smem:$0x3FDB];
	s0 =	simm.s32 @p2 $0x1  }
0x17: {  	s4 =	simm.s32 $0x1BF5;
	[smem:$0x3FB7] =	sst s0  }
0x18: {  	s0 =	sld [smem:$0x3F9A];
	_ =	swait.ge [sflag:s4], $0x0  }
0x19: {  	s7 =	sld [smem:$0x3F9B]  }
0x1a: {  	s8 =	sadd.s32 $0xFFFFE003, lr  }
0x1b: {  	s9 =	sadd.s32 $0xFFFFFEF7, lr;
	s5 =	simm.s32 $0xFFFFFFFF;
	p2 =	slt.u32 s8, $0xFFFFF086  }
0x1c: {  	p1 =	slt.u32 s9, $0xF7A;
	s5 =	simm.s32 @!p2 $0x0  }
0x1d: {  	s5 =	simm.s32 @p1 $0x1;
	p0 =	seq.s32 s7, s2  }
0x1e: {  	s7 =	smul.u32 @!p0 $0xF7A, s2;
	p2 =	seq.s32 @!p0 s5, $0x0  }
0x1f: {  	s9 =	smul.u32 $0xF7A, s1;
	s8 =	simm.s32 @!p0 $0x1BF5;
	p2 =	por !p2, p0  }
0x20: {  	[sflag:s8] =	ssyncset.s32 @!p0 $0xFFFFF086;
	s6 =	sadd.s32 @!p0 s3, s7;
	s7 =	simm.s32 @!p0 $0x108  }
0x21: {  	s3 =	sadd.s32 s3, s9;
	s6 =	sadd.s32 @!p0 $0x88, s6;
	s7 =	simm.s32 @p2 $0x1082  }
0x22: {  	[simem:s7], [sflag:s8] =	dma.local @!p0 [hbm:s6], $0xF7A  }
0x23: {  	s9 =	sor.u32 $0xD0000000, s2;
	s6 =	simm.s32 $0x108;
	_ =	swait.ge @!p0 [sflag:s8], $0x0  }
0x24: {  	s3 =	sadd.s32 $0x88, s3;
	s6 =	simm.s32 @!p1 $0x1082;
	[sflag:s4] =	ssyncset.s32 $0xFFFFF086  }
0x25: {  	[simem:s6], [sflag:s4] =	dma.local [hbm:s3], $0xF7A  }
0x26: {  	[smem:$0x3F9B] =	sst s1;
	(tag) =	ssettag s2;
	_ =	strace s9  }
0x27: {  	s1 =	sld [smem:$0x3FAB]  }
0x28: {  	s2 =	sld [smem:$0x3FAC]  }
0x29: {  	s4 =	sld [smem:$0x3FAE]  }
0x2a: {  	p0 =	seq.s32 s5, $0x0;
	s5 =	sld [smem:$0x3FAF]  }
0x2b: {  	s6 =	sld [smem:$0x3FB0]  }
0x2c: {  	s7 =	sld [smem:$0x3FB1]  }
0x2d: {  	s3 =	simm.s32 $0x108;
	s8 =	sld [smem:$0x3FB2]  }
0x2e: {  	s3 =	simm.s32 @!p0 $0x1082;
	s9 =	sld [smem:$0x3FB3]  }
0x2f: {  	lr =	sadd.s32 s0, s3;
	s0 =	sld [smem:$0x3FAA]  }
0x30: {  	s3 =	sld [smem:$0x3FAD]  }
0x31: {  	[smem:$0x3FB6] =	sst s10  }
0x32: {  	s10 =	sld [smem:$0x3FB4];
	_ =	sdelay $0x3  }
0x33: {  	p0 =	seq.s32 s10, $0x1;
	s10 =	sld [smem:$0x3FB6];
	_ =	sdelay $0x3  }
0x34: {  	[smem:$0x3FB6] =	sst s10  }
0x35: {  	s10 =	sld [smem:$0x3FB5];
	_ =	sdelay $0x3  }
0x36: {  	p1 =	seq.s32 s10, $0x1;
	s10 =	sld [smem:$0x3FB6];
	_ =	sdelay $0x3  }
0x37: {  	[smem:$0x3FB6] =	sst s10  }
0x38: {  	s10 =	sld [smem:$0x3FB7]  }
0x39: {  	_ = 	snop;
	(pc) =	sbr.ind lr, $3  }
0x3a: {  	_ = 	snop  }
0x3b: {  	_ = 	snop  }
0x3c: {  	p2 =	seq.s32 s10, $0x1;
	s10 =	sld [smem:$0x3FB6]  }
0x3d: {  	_ =	shalt  }
0x3e: {  	_ =	shalt  }
0x3f: {  	_ =	shalt  }
0x40: {  	_ =	shalt  }
0x41: {  	_ =	shalt  }
0x42: {  	_ =	shalt  }
0x43: {  	_ =	shalt  }
0x44: {  	_ =	shalt  }
0x45: {  	_ =	shalt  }
0x46: {  	_ =	shalt  }
0x47: {  	_ =	shalt  }
0x48: {  	_ =	shalt  }
0x49: {  	_ =	shalt  }
0x4a: {  	_ =	shalt  }
0x4b: {  	_ =	shalt  }
0x4c: {  	_ =	shalt  }
0x4d: {  	_ =	shalt  }
0x4e: {  	_ =	shalt  }
0x4f: {  	_ =	shalt  }
0x50: {  	_ =	shalt  }
0x51: {  	_ =	shalt  }
0x52: {  	_ =	shalt  }
0x53: {  	_ =	shalt  }
0x54: {  	_ =	shalt  }
0x55: {  	_ =	shalt  }
0x56: {  	_ =	shalt  }
0x57: {  	_ =	shalt  }
0x58: {  	_ =	shalt  }
0x59: {  	_ =	shalt  }
0x5a: {  	_ =	shalt  }
0x5b: {  	_ =	shalt  }
0x5c: {  	_ =	shalt  }
0x5d: {  	_ =	shalt  }
0x5e: {  	_ =	shalt  }
0x5f: {  	_ =	shalt  }
0x60: {  	_ =	shalt  }
0x61: {  	_ =	shalt  }
0x62: {  	_ =	shalt  }
0x63: {  	_ =	shalt  }
0x64: {  	_ =	shalt  }
0x65: {  	_ =	shalt  }
0x66: {  	_ =	shalt  }
0x67: {  	_ =	shalt  }
0x68: {  	_ =	shalt  }
0x69: {  	_ =	shalt  }
0x6a: {  	_ =	shalt  }
0x6b: {  	_ =	shalt  }
0x6c: {  	_ =	shalt  }
0x6d: {  	_ =	shalt  }
0x6e: {  	_ =	shalt  }
0x6f: {  	_ =	shalt  }
0x70: {  	_ =	shalt  }
0x71: {  	_ =	shalt  }
0x72: {  	_ =	shalt  }
0x73: {  	_ =	shalt  }
0x74: {  	_ =	shalt  }
0x75: {  	_ =	shalt  }
0x76: {  	_ =	shalt  }
0x77: {  	_ =	shalt  }
0x78: {  	_ =	shalt  }
0x79: {  	_ =	shalt  }
0x7a: {  	_ =	shalt  }
0x7b: {  	_ =	shalt  }
0x7c: {  	_ =	shalt  }
0x7d: {  	_ =	shalt  }
0x7e: {  	_ =	shalt  }
0x7f: {  	_ =	shalt  }
0x80: {  	_ =	shalt  }
0x81: {  	_ =	shalt  }
0x82: {  	_ =	shalt  }
0x83: {  	_ =	shalt  }
0x84: {  	_ =	shalt  }
0x85: {  	_ =	shalt  }
0x86: {  	_ =	shalt  }
0x87: {  	_ =	shalt  }
.Lfunc_end0:
.L_simem_size_0:
called_computation.2_lowered:
.L_overlay_start_0:
0x88: {  	s0 =	sld [smem:$0x3FD9]  }
0x89: {  	s1 =	sld [smem:$0x3FFE];
	_ =	sdelay $0x3  }
0x8a: {  	s0 =	sadd.s32 s1, s0  }
0x8b: {  	[smem:$0x3FC2] =	sst s0  }
0x8c: {  	_ = 	snop  }
0x8d: {  	(tm) =	ssettm $0x1  }
0x8e: {  	s15 =	sld [smem:$0x3FFB];
	_ =	sdelay $0x3  }
0x8f: {  	_ =	strace s15  }
0x90: {  	s0 =	sld [smem:$0x3FFC];
	_ =	sdelay $0x3  }
0x91: {  	_ =	strace s0  }
0x92: {  	s0 =	sld [smem:$0x3FFD];
	_ =	sdelay $0x3  }
0x93: {  	_ =	strace s0  }
0x94: {  	_ =	strace $0x8FFFFFFF  }
0x95: {  	s16 =	sld [smem:$0x3FDB];
	_ =	sdelay $0x1  }
0x96: {  	s17 =	simm.s32 $_scs_section_size  }
0x97: {  	s2 =	simm.s32 $_size__tile_overlayer_lowered;
	s3 =	simm.s32 $_tile_overlayer_lowered  }
0x98: {  	s20 =	simm.s32 $0x1BFF;
	s19 =	sshll.u32 s3, $0x1;
	s0 =	sadd.s32 s17, s16  }
0x99: {  	s4 =	simm.s32 $0x0;
	s18 =	sshll.u32 s2, $0x1;
	s2 =	sadd.s32 s19, s0  }
0x9a: {  	[timem:s4], [sflag:s20] =	dma.local [hbm:s2], s18  }
0x9b: {  	_ =	swait.ge [sflag:s20], s18  }
0x9c: {  	s1 =	ssub.s32 $0x0, s18;
	[sflag:s20] =	ssyncset.done $0x0  }
0x9d: {  	[sflag:s20] =	ssyncadd.s32 s1;
	_ =	sdelay $0x1  }
0x9e: {  	s21 =	simm.s32 $0x1B8B  }
0x9f: {  	_ =	swait.ge [sflag:s21], $0x1  }
0xa0: {  	[sflag:s21] =	ssyncset.done $0x0  }
0xa1: {  	s23 =	simm.s32 $0x1B8E;
	s22 =	sld [smem:$0x3FFE];
	[sflag:s21] =	ssyncadd.s32 $0xFFFFFFFF  }
0xa2: {  	s24 =	simm.s32 $execute0_lowered;
	[smem:$0x3FD2] =	sst s23  }
0xa3: {  	s2 =	sshll.u32 s24, $0x1;
	_ =	strace $0x8000004C;
	[dreg:$0x1] =	wrdreg $0xFFFFFFFF  }
0xa4: {  	s25 =	simm.s32 $_size_execute0_lowered;
	s0 =	sadd.s32 s0, s2;
	[dreg:$0x0] =	wrdreg $0x0  }
0xa5: {  	s2 =	sshll.u32 s25, $0x1;
	[dreg:$0x2] =	wrdreg s0  }
0xa6: {  	[dreg:$0x3] =	wrdreg s2  }
0xa7: {  	[dreg:$0x4] =	wrdreg $0xC0  }
0xa8: {  	_ =	task [dreg:s4], $0x5FFFF  }
0xa9: {  	[dreg:$0x1] =	wrdreg $0xFFFFFFFF  }
0xaa: {  	[dreg:$0x0] =	wrdreg $0x60  }
0xab: {  	[dreg:$0x2] =	wrdreg s22  }
0xac: {  	[dreg:$0x3] =	wrdreg $0x9  }
0xad: {  	_ =	task.clear_ibuf [dreg:s4], $0x4FFFF;
	_ =	strace $0x9000004C  }
0xae: {  	s26 =	simm.s32 $0x9;
	_ =	strace $0x8000004E  }
0xaf: {  	_ =	swait.ge [sflag:s26], $0x1  }
0xb0: {  	[sflag:s26] =	ssyncadd.s32 $0xFFFFFFFF  }
0xb1: {  	_ =	strace $0x9000004E  }
0xb2: {  	_ =	sfence  }
0xb3: {  	s28 =	sld [smem:$0x0];
	_ =	sdelay $0x1  }
0xb4: {  	s29 =	srdreg.scid  }
0xb5: {  	s30 =	sshll.u32 s29, $0xD;
	s31 =	sshrl.u32 s29, $0x2  }
0xb6: {  	s1 =	sand.u32 $0x1, s29;
	s2 =	sand.u32 $0x4000, s30;
	s0 =	sadd.s32 s31, s28  }
0xb7: {  	s1 =	sor.u32 s2, s1;
	s0 =	sshll.u32 s0, $0x11  }
0xb8: {  	s0 =	sor.u32 s0, s1  }
0xb9: {  	s0 =	sadd.s32 $0x8F2B, s0  }
0xba: {  	[sflag:s0] =	ssyncadd.remote.s32 $0x1  }
0xbb: {  	_ =	sfence.sel $0xFFFF  }
0xbc: {  	[dreg:$0x0] =	wrdreg $0xFFFFFFFF;
	(pc) =	sbr.abs _section_cstart, $3  }
0xbd: {  	[dreg:$0x1] =	wrdreg $0xFFFFFFFF  }
0xbe: {  	_ =	task.clear_ibuf [dreg:s4], $0x2FFFF;
	_ =	strace $0x9FFFFFFF  }
0xbf: {  	(tm) =	ssettm $0x7FFFFFFF  }
tec
execute0_lowered:
.L_overlay_start_1:
0x0: {  	(tag) =	ssettag $0x1  }
0x1: {  	s0 =	stileid.u32;
	s3 =	simm.s32 $0x200;
	s10 =	simm.s32 $0x1  }
0x2: {  	s6 =	simm.s32 $0x2;
	s1 =	smin.u32 s0, $0x4;
	p0 =	slt.u32 s0, $0x4  }
0x3: {  	s11 =	simm.s32 $0x4;
	s2 =	sshll.u32 s1, $0x9;
	s3 =	simm.s32 @!p0 $0x0  }
0x4: {  	s12 =	simm.s32 $0xFFFFF800;
	s13 =	simm.s32 $0xFFFFFE00;
	s1 =	sadd.s32 s3, s2  }
0x5: {  	s14 =	simm.s32 $0xFFFFFFFF;
	s18 =	simm.s32 $0x0;
	s4 =	smin.u32 s1, $0x7D0  }
0x6: {  	s15 =	simm.s32 $0x0;
	s17 =	simm.s32 $0x0;
	s9 =	ssub.s32 s4, s2  }
0x7: {  	s3 =	rddreg [dreg:$0x0];
	s16 =	smov.u32 s2;
	p0 =	sgt.s32 s9, $0x0  }
0x8: {  	s1 =	rddreg [dreg:$0x1];
	_ =	strace $0x8000004D;
	s9 =	simm.s32 @!p0 $0x0  }
.Ltmp0:
0x9: {  	[sflag:s10] =	ssyncpa.u1 $0x0;
	s8 =	sand.u32 $0x1D0, s9;
	(pc) =	sbr.rel .LBB2_1-.Ltmp0, $4  }
0xa: {  	s5 =	sadd.s32 $0x200, s3;
	[sflag:s6] =	ssyncpa.u1 $0x0;
	p0 =	sne.s32 s8, $0x0  }
0xb: {  	s9 =	sshrl.u32 s9, $0x9;
	s8 =	simm.s32 $0x3;
	s10 =	simm.s32 @!p0 $0x0  }
0xc: {  	s7 =	sadd.s32 $0x400, s3;
	[sflag:s8] =	ssyncpa.u1 $0x0;
	s9 =	sadd.s32 s10, s9  }
0xd: {  	v0 =	vlaneseq.u32;
	vm0 =	vmmov $0xffff;
	[sflag:s11] =	ssyncpa.u1 $0x0;
	s11 =	simm.s32 $0x0;
	s10 =	sadd.s32 $0x2, s9  }
.LBB2_7:
0xe: {  	p0 =	slt.u32 s17, $0x3  }
0xf: {  	s18 =	simm.s32 @!p0 $0x4  }
0x10: {  	_ =	swait.ge @!p0 [sflag:s18], $0x80  }
0x11: {  	s19 =	sadd.s32 $0x200, s16;
	[sflag:s18] =	ssyncset.done @!p0 $0x0  }
0x12: {  	s20 =	smov.u32 s2;
	[sflag:s18] =	ssyncadd.s32 @!p0 $0xFFFFFF80;
	p0 =	slt.s32 s19, s4  }
0x13: {  	s20 =	smov.u32 @p0 s19;
	p0 =	sne.s32 s17, s10  }
.Ltmp1:
0x14: {  	_ = 	snop;
	(pc) =	sbr.rel @!p0 .LBB2_8-.Ltmp1, $4  }
0x15: {  	_ = 	snop  }
0x16: {  	s31 =	sadd.s32 $0x1, s17;
	s12 =	sadd.s32 $0x800, s12  }
0x17: {  	s13 =	sadd.s32 $0x200, s13;
	s14 =	sadd.s32 $0x1, s14;
	s18 =	smov.u32 s15  }
0x18: {  	s15 =	smov.u32 s16;
	s17 =	smov.u32 s31;
	s16 =	smov.u32 s20  }
.LBB2_1:
0x19: {  	p0 =	sge.u32 s17, s9  }
0x1a: {  	s19 =	smulhi.u32 @!p0 $0xAAAAAAAB, s17;
	_ =	sdelay $0x1  }
0x1b: {  	s19 =	sshrl.u32 @!p0 s19, $0x1  }
0x1c: {  	s19 =	smul.u32 @!p0 $0x3, s19;
	_ =	sdelay $0x1  }
0x1d: {  	s31 =	sadd.s32 $0xFFFFFFFF, s17;
	s20 =	sshrl.u32 @!p0 s16, $0x3;
	s19 =	ssub.s32 @!p0 s17, s19  }
0x1e: {  	s21 =	sand.u32 @!p0 $0x7, s16;
	s20 =	sadd.s32 @!p0 s7, s20;
	s19 =	sshll.u32 @!p0 s19, $0x9  }
0x1f: {  	[tilespmem:s19], [sflag:$0x2] =	stream.linear.gather @!p0 [hbm4b:s20+s21], $0x200, $0x38;
	[tilespmem:$0xB00] =	vst v63  }
0x20: {  	p0 =	sge.u32 s31, s9  }
.Ltmp2:
0x21: {  	_ = 	snop;
	(pc) =	sbr.rel @p0 .LBB2_5-.Ltmp2, $1  }
0x22: {  	_ =	sdelay $0x3  }
0x23: {  	s19 =	smulhi.u32 $0xAAAAAAAB, s14;
	_ =	sdelay $0x1  }
0x24: {  	s19 =	sshrl.u32 s19, $0x1  }
0x25: {  	s19 =	smul.u32 $0xFFFFE800, s19  }
0x26: {  	_ =	swait.ge [sflag:s6], $0x200;
	s20 =	ssub.s32 $0x7D0, s15  }
0x27: {  	[sflag:s6] =	ssyncset.done $0x0;
	p0 =	slt.s32 s20, $0x200;
	s19 =	sshra.s32 s19, $0x2  }
0x28: {  	[sflag:s6] =	ssyncadd.s32 $0xFFFFFE00;
	s20 =	simm.s32 @!p0 $0x200;
	s21 =	sadd.s32 s19, s13  }
0x29: {  	(ifvalue) =	ssetifvalue $0x7FFFFFFF;
	p0 =	sgt.s32 s20, $0x0;
	s19 =	sadd.s32 $0xFFFFFFF0, s20;
	v1 =	vld.msk [tilespmem:s21+$0x0 ss:$0x1], $0xffff  }
0x2a: {  	s20 =	simm.s32 @!p0 $0x0;
	p0 =	sgt.s32 s19, $0x0  }
0x2b: {  	s22 =	sadd.s32 $0xFFFFFFF0, s19;
	s20 =	smin.u32 s20, $0x10;
	s19 =	simm.s32 @!p0 $0x0  }
0x2c: {  	v2 =	vmov s20;
	s19 =	smin.u32 s19, $0x10  }
0x2d: {  	s24 =	sadd.s32 $0x10, s21;
	vm1 =	vgt.u32 v2, v0;
	v2 =	vmov s19  }
0x2e: {  	v3 =	vld.msk [tilespmem:s24+$0x0 ss:$0x1], $0xffff;
	vm1 =	vmmov vm1;
	vm2 =	vgt.u32 v2, v0;
	v2 =	vshll.u32 v1, $0x1  }
0x2f: {  	p0 =	sgt.s32 s22, $0x0;
	s19 =	smov.u32 s22;
	v4 =	vand.u32 $0x1, v1;
	vm3 =	veq.s32 v1, $0x80000000;
	v1 =	vand.u32 $0xFFC, v2  }
0x30: {  	s19 =	simm.s32 @!p0 $0x0;
	vm1 =	vmmov vm1;
	v2 =	vsel vm3, $0xFFFFFFFF, v4;
	v1 =	vsel vm3, $0xFFFFFFFC, v1  }
0x31: {  	s19 =	smin.u32 s19, $0x10;
	vm2 =	vmmov vm2;
	v4 =	vand.u32 $0xFFFFF000, v2;
	v5 =	vand.u32 $0xFFFFFE00, v1  }
0x32: {  	s25 =	sadd.s32 $0xFFFFFFF0, s22;
	v6 =	vmov s19;
	v1 =	vand.u32 $0x1FC, v1;
	v4 =	vadd.s32 v4, v5  }
0x33: {  	s23 =	smov.u32 s25;
	p0 =	sgt.s32 s25, $0x0;
	vm4 =	veq.s32 v3, $0x80000000;
	v2 =	vand.u32 $0x3, v2;
	v1 =	vor.u32 v1, v4  }
0x34: {  	s23 =	simm.s32 @!p0 $0x0;
	s19 =	sadd.s32 $0x10, s24;
	vm3 =	vgt.u32 v6, v0;
	v5 =	vshll.u32 v3, $0x1;
	v1 =	vshrl.u32 v1, $0x2  }
0x35: {  	s31 =	smin.u32 s23, $0x10;
	s20 =	sadd.s32 $0x10, s19;
	v4 =	vand.u32 $0x1, v3;
	v3 =	vand.u32 $0xFFC, v5;
	v1 =	vnsel vm1, $0x7FFFFFFF, v1  }
0x36: {  	s29 =	sshrl.u32 s12, $0x2;
	v8 =	vmov s31;
	[tilespmem:s21+$0x0] =	vst v2;
	v2 =	vld.msk [tilespmem:s20+$0x0 ss:$0x1], $0xffff;
	v4 =	vsel vm4, $0xFFFFFFFF, v4;
	v5 =	vsel vm4, $0xFFFFFFFC, v3  }
0x37: {  	s30 =	sand.u32 $0x200, s29;
	vm3 =	vmmov vm3;
	v3 =	vld.msk [tilespmem:s19+$0x0 ss:$0x1], $0xffff;
	v6 =	vand.u32 $0xFFFFF000, v4;
	v7 =	vand.u32 $0xFFFFFE00, v5  }
0x38: {  	s22 =	sadd.s32 $0x600, s30;
	s25 =	sadd.s32 $0xFFFFFFF0, s25;
	s23 =	simm.s32 $0x30;
	v4 =	vand.u32 $0x3, v4;
	v5 =	vand.u32 $0x1FC, v5;
	v6 =	vadd.s32 v6, v7  }
0x39: {  	s21 =	sadd.s32 $0x10, s22;
	vm1 =	vmmov vm2;
	vm2 =	vgt.u32 v8, v0;
	[tilespmem:s24+$0x0] =	vst v4;
	s24 =	sadd.s32 $0x10, s20;
	(ifvalue) =	ssetifvalue $0x7FFFFFFF;
	v4 =	vor.u32 v5, v6  }
.LBB2_3:
0x3a: {  	[tilespmem:s22], [sflag:$0x3] =	stream.indirect_vreg.gather [hbm4b:s5+s11], $0x1, v1, vm0, $0x4038;
	[tilespmem:$0xB00] =	vst v63  }
0x3b: {  	p0 =	sgt.s32 s25, $0x0;
	s23 =	sadd.s32 $0x10, s23;
	s26 =	smov.u32 s25  }
0x3c: {  	v5 =	vand.u32 $0x1, v3;
	v6 =	vshll.u32 v3, $0x1;
	v4 =	vshrl.u32 v4, $0x2;
	v7 =	vmovc v2;
	v2 =	vld.msk [tilespmem:s24+$0x0 ss:$0x1], $0xffff;
	s26 =	simm.s32 @!p0 $0x0;
	p0 =	slt.u32 s23, $0x1F0  }
.Ltmp3:
0x3d: {  	vm4 =	veq.s32 v3, $0x80000000;
	v6 =	vand.u32 $0xFFC, v6;
	v1 =	vnsel vm1, $0x7FFFFFFF, v4;
	v3 =	vmovc v7;
	(pc) =	sbr.rel @p0 .LBB2_3-.Ltmp3, $4  }
0x3e: {  	s22 =	smov.u32 s21;
	v4 =	vsel vm4, $0xFFFFFFFF, v5;
	vm1 =	vmmov vm3;
	v5 =	vsel vm4, $0xFFFFFFFC, v6  }
0x3f: {  	s28 =	smov.u32 s19;
	s19 =	smov.u32 s20;
	s26 =	smin.u32 s26, $0x10;
	v6 =	vand.u32 $0xFFFFF000, v4;
	v7 =	vand.u32 $0xFFFFFE00, v5;
	v5 =	vand.u32 $0x1FC, v5  }
0x40: {  	s21 =	sadd.s32 $0x10, s21;
	s20 =	smov.u32 s24;
	v9 =	vand.u32 $0x3, v4;
	v8 =	vmov s26;
	v4 =	vadd.s32 v6, v7  }
0x41: {  	s24 =	sadd.s32 $0x10, s24;
	s25 =	sadd.s32 $0xFFFFFFF0, s25;
	vm3 =	vmmov vm2;
	vm2 =	vgt.u32 v8, v0;
	v4 =	vor.u32 v5, v4;
	[tilespmem:s28+$0x0] =	vst v9;
	(ifvalue) =	ssetifvalue $0x7FFFFFFF  }
0x42: {  	v5 =	vshll.u32 v3, $0x1  }
0x43: {  	v6 =	vand.u32 $0x1, v3;
	vm4 =	veq.s32 v3, $0x80000000;
	v4 =	vshrl.u32 v4, $0x2  }
0x44: {  	v60 =	vshll.u32 v2, $0x1;
	v8 =	vand.u32 $0x1, v2;
	vm15 =	veq.s32 v2, $0x80000000  }
0x45: {  	v3 =	vand.u32 $0xFFC, v5;
	v59 =	vsel vm4, $0xFFFFFFFF, v6;
	v2 =	vand.u32 $0xFFC, v60  }
0x46: {  	v61 =	vsel vm15, $0xFFFFFFFF, v8;
	v4 =	vnsel vm1, $0x7FFFFFFF, v4;
	v3 =	vsel vm4, $0xFFFFFFFC, v3  }
0x47: {  	vm1 =	vmmov vm3;
	v6 =	vand.u32 $0xFFFFF000, v59;
	v7 =	vand.u32 $0xFFFFFE00, v3  }
0x48: {  	v2 =	vsel vm15, $0xFFFFFFFC, v2;
	v3 =	vand.u32 $0x1FC, v3;
	v6 =	vadd.s32 v6, v7  }
0x49: {  	v62 =	vand.u32 $0xFFFFF000, v61;
	v63 =	vand.u32 $0xFFFFFE00, v2;
	v3 =	vor.u32 v3, v6  }
0x4a: {  	v2 =	vand.u32 $0x1FC, v2;
	v6 =	vadd.s32 v62, v63;
	v3 =	vshrl.u32 v3, $0x2  }
0x4b: {  	vm2 =	vmmov vm2;
	v2 =	vor.u32 v2, v6;
	v3 =	vnsel vm1, $0x7FFFFFFF, v3  }
0x4c: {  	[tilespmem:s22], [sflag:$0x3] =	stream.indirect_vreg.gather [hbm4b:s5+s11], $0x1, v1, vm0, $0x4038;
	v5 =	vand.u32 $0x3, v59;
	vm1 =	vmmov vm2;
	v1 =	vshrl.u32 v2, $0x2;
	[tilespmem:$0xB00] =	vst v63  }
0x4d: {  	[tilespmem:s19+$0x0] =	vst v5;
	(ifvalue) =	ssetifvalue $0x7FFFFFFF;
	v1 =	vnsel vm1, $0x7FFFFFFF, v1  }
0x4e: {  	[tilespmem:s21], [sflag:$0x3] =	stream.indirect_vreg.gather [hbm4b:s5+s11], $0x1, v4, vm0, $0x4038;
	v2 =	vand.u32 $0x3, v61;
	[tilespmem:$0xB00] =	vst v63  }
0x4f: {  	s31 =	sadd.s32 $0x10, s21;
	[tilespmem:s20+$0x0] =	vst v2;
	(ifvalue) =	ssetifvalue $0x7FFFFFFF  }
0x50: {  	[tilespmem:s31], [sflag:$0x3] =	stream.indirect_vreg.gather [hbm4b:s5+s11], $0x1, v3, vm0, $0x4038;
	[tilespmem:$0xB00] =	vst v63  }
0x51: {  	s19 =	sadd.s32 $0x10, s31;
	(ifvalue) =	ssetifvalue $0x7FFFFFFF  }
0x52: {  	[tilespmem:s19], [sflag:$0x3] =	stream.indirect_vreg.gather [hbm4b:s5+s11], $0x1, v1, vm0, $0x4038;
	[tilespmem:$0xB00] =	vst v63  }
.LBB2_5:
0x53: {  	p0 =	slt.u32 s17, $0x2  }
0x54: {  	p1 =	sge.u32 @!p0 s17, s10  }
0x55: {  	p0 =	por p0, p1  }
.Ltmp4:
0x56: {  	_ = 	snop;
	(pc) =	sbr.rel @p0 .LBB2_7-.Ltmp4, $1  }
0x57: {  	_ =	sdelay $0x3  }
0x58: {  	s19 =	sadd.s32 $0xFFFFFFFE, s17  }
0x59: {  	s20 =	smulhi.u32 $0xAAAAAAAB, s19  }
0x5a: {  	_ =	swait.ge [sflag:s8], $0x200  }
0x5b: {  	s21 =	sand.u32 $0x1, s17;
	[sflag:s8] =	ssyncset.done $0x0;
	s20 =	sshrl.u32 s20, $0x1  }
0x5c: {  	s28 =	sshll.u32 s21, $0x9;
	[sflag:s8] =	ssyncadd.s32 $0xFFFFFE00;
	s20 =	smul.u32 $0x3, s20  }
0x5d: {  	v1 =	vld [tilespmem:s28+$0x600]  }
0x5e: {  	v3 =	vld [tilespmem:s28+$0x680];
	s20 =	ssub.s32 s19, s20  }
0x5f: {  	v6 =	vld [tilespmem:s28+$0x700];
	s20 =	sshll.u32 s20, $0x9  }
0x60: {  	v2 =	vld [tilespmem:s20+$0x0]  }
0x61: {  	v4 =	vld [tilespmem:s20+$0x80]  }
0x62: {  	v5 =	vld [tilespmem:s20+$0x100]  }
0x63: {  	v7 =	vld [tilespmem:s20+$0x180];
	_ =	sdelay $0x1  }
0x64: {  	v8 =	vld [tilespmem:s28+$0x780]  }
0x65: {  	v2 =	vshll.u32 v2, $0x3;
	v4 =	vshll.u32 v4, $0x3  }
0x66: {  	v1 =	vshrl.u32 v1, v2;
	v2 =	vshrl.u32 v3, v4;
	v3 =	vshll.u32 v5, $0x3  }
0x67: {  	v21 =	vshll.u32 v7, $0x3;
	v2 =	vshll.u32 v2, $0x8;
	v3 =	vshrl.u32 v6, v3  }
0x68: {  	v1 =	vand.u32 $0xFF, v1;
	v2 =	vand.u32 $0xFF00, v2;
	v3 =	vshll.u32 v3, $0x10  }
0x69: {  	v1 =	vor.u32 v1, v2;
	v2 =	vand.u32 $0xFF0000, v3;
	v3 =	vshrl.u32 v8, v21  }
0x6a: {  	v1 =	vor.u32 v2, v1;
	v2 =	vshll.u32 v3, $0x18  }
0x6b: {  	s21 =	sshll.u32 s21, $0x7;
	v1 =	vor.u32 v2, v1  }
0x6c: {  	[tilespmem:s21+$0xA00] =	vst v1  }
0x6d: {  	v1 =	vld [tilespmem:s28+$0x610]  }
0x6e: {  	v2 =	vld [tilespmem:s20+$0x10]  }
0x6f: {  	v3 =	vld [tilespmem:s28+$0x690]  }
0x70: {  	v22 =	vld [tilespmem:s20+$0x90]  }
0x71: {  	v23 =	vld [tilespmem:s20+$0x110]  }
0x72: {  	v24 =	vld [tilespmem:s28+$0x710]  }
0x73: {  	v25 =	vld [tilespmem:s20+$0x190];
	_ =	sdelay $0x1  }
0x74: {  	v26 =	vld [tilespmem:s28+$0x790]  }
0x75: {  	v2 =	vshll.u32 v2, $0x3;
	v4 =	vshll.u32 v22, $0x3  }
0x76: {  	v1 =	vshrl.u32 v1, v2;
	v2 =	vshrl.u32 v3, v4;
	v3 =	vshll.u32 v23, $0x3  }
0x77: {  	v27 =	vshll.u32 v25, $0x3;
	v2 =	vshll.u32 v2, $0x8;
	v3 =	vshrl.u32 v24, v3  }
0x78: {  	v1 =	vand.u32 $0xFF, v1;
	v2 =	vand.u32 $0xFF00, v2;
	v3 =	vshll.u32 v3, $0x10  }
0x79: {  	v1 =	vor.u32 v1, v2;
	v2 =	vand.u32 $0xFF0000, v3;
	v3 =	vshrl.u32 v26, v27  }
0x7a: {  	v1 =	vor.u32 v2, v1;
	v2 =	vshll.u32 v3, $0x18  }
0x7b: {  	v1 =	vor.u32 v2, v1  }
0x7c: {  	[tilespmem:s21+$0xA10] =	vst v1  }
0x7d: {  	v1 =	vld [tilespmem:s28+$0x620]  }
0x7e: {  	v2 =	vld [tilespmem:s20+$0x20]  }
0x7f: {  	v3 =	vld [tilespmem:s28+$0x6A0]  }
0x80: {  	v28 =	vld [tilespmem:s20+$0xA0]  }
0x81: {  	v29 =	vld [tilespmem:s20+$0x120]  }
0x82: {  	v30 =	vld [tilespmem:s28+$0x720]  }
0x83: {  	v31 =	vld [tilespmem:s20+$0x1A0];
	_ =	sdelay $0x1  }
0x84: {  	v32 =	vld [tilespmem:s28+$0x7A0]  }
0x85: {  	v2 =	vshll.u32 v2, $0x3;
	v4 =	vshll.u32 v28, $0x3  }
0x86: {  	v1 =	vshrl.u32 v1, v2;
	v2 =	vshrl.u32 v3, v4;
	v3 =	vshll.u32 v29, $0x3  }
0x87: {  	v33 =	vshll.u32 v31, $0x3;
	v2 =	vshll.u32 v2, $0x8;
	v3 =	vshrl.u32 v30, v3  }
0x88: {  	v1 =	vand.u32 $0xFF, v1;
	v2 =	vand.u32 $0xFF00, v2;
	v3 =	vshll.u32 v3, $0x10  }
0x89: {  	v1 =	vor.u32 v1, v2;
	v2 =	vand.u32 $0xFF0000, v3;
	v3 =	vshrl.u32 v32, v33  }
0x8a: {  	v1 =	vor.u32 v2, v1;
	v2 =	vshll.u32 v3, $0x18  }
0x8b: {  	v1 =	vor.u32 v2, v1  }
0x8c: {  	[tilespmem:s21+$0xA20] =	vst v1  }
0x8d: {  	v1 =	vld [tilespmem:s28+$0x630]  }
0x8e: {  	v2 =	vld [tilespmem:s20+$0x30]  }
0x8f: {  	v3 =	vld [tilespmem:s28+$0x6B0]  }
0x90: {  	v34 =	vld [tilespmem:s20+$0xB0]  }
0x91: {  	v35 =	vld [tilespmem:s20+$0x130]  }
0x92: {  	v36 =	vld [tilespmem:s28+$0x730]  }
0x93: {  	v37 =	vld [tilespmem:s20+$0x1B0];
	_ =	sdelay $0x1  }
0x94: {  	v38 =	vld [tilespmem:s28+$0x7B0]  }
0x95: {  	v2 =	vshll.u32 v2, $0x3;
	v4 =	vshll.u32 v34, $0x3  }
0x96: {  	v1 =	vshrl.u32 v1, v2;
	v2 =	vshrl.u32 v3, v4;
	v3 =	vshll.u32 v35, $0x3  }
0x97: {  	v39 =	vshll.u32 v37, $0x3;
	v2 =	vshll.u32 v2, $0x8;
	v3 =	vshrl.u32 v36, v3  }
0x98: {  	v1 =	vand.u32 $0xFF, v1;
	v2 =	vand.u32 $0xFF00, v2;
	v3 =	vshll.u32 v3, $0x10  }
0x99: {  	v1 =	vor.u32 v1, v2;
	v2 =	vand.u32 $0xFF0000, v3;
	v3 =	vshrl.u32 v38, v39  }
0x9a: {  	v1 =	vor.u32 v2, v1;
	v2 =	vshll.u32 v3, $0x18  }
0x9b: {  	v1 =	vor.u32 v2, v1  }
0x9c: {  	[tilespmem:s21+$0xA30] =	vst v1  }
0x9d: {  	v1 =	vld [tilespmem:s28+$0x640]  }
0x9e: {  	v2 =	vld [tilespmem:s20+$0x40]  }
0x9f: {  	v3 =	vld [tilespmem:s28+$0x6C0]  }
0xa0: {  	v40 =	vld [tilespmem:s20+$0xC0]  }
0xa1: {  	v41 =	vld [tilespmem:s20+$0x140]  }
0xa2: {  	v42 =	vld [tilespmem:s28+$0x740]  }
0xa3: {  	v43 =	vld [tilespmem:s20+$0x1C0];
	_ =	sdelay $0x1  }
0xa4: {  	v44 =	vld [tilespmem:s28+$0x7C0]  }
0xa5: {  	v2 =	vshll.u32 v2, $0x3;
	v4 =	vshll.u32 v40, $0x3  }
0xa6: {  	v1 =	vshrl.u32 v1, v2;
	v2 =	vshrl.u32 v3, v4;
	v3 =	vshll.u32 v41, $0x3  }
0xa7: {  	v45 =	vshll.u32 v43, $0x3;
	v2 =	vshll.u32 v2, $0x8;
	v3 =	vshrl.u32 v42, v3  }
0xa8: {  	v1 =	vand.u32 $0xFF, v1;
	v2 =	vand.u32 $0xFF00, v2;
	v3 =	vshll.u32 v3, $0x10  }
0xa9: {  	v1 =	vor.u32 v1, v2;
	v2 =	vand.u32 $0xFF0000, v3;
	v3 =	vshrl.u32 v44, v45  }
0xaa: {  	v1 =	vor.u32 v2, v1;
	v2 =	vshll.u32 v3, $0x18  }
0xab: {  	v1 =	vor.u32 v2, v1  }
0xac: {  	[tilespmem:s21+$0xA40] =	vst v1  }
0xad: {  	v1 =	vld [tilespmem:s28+$0x650]  }
0xae: {  	v2 =	vld [tilespmem:s20+$0x50]  }
0xaf: {  	v3 =	vld [tilespmem:s28+$0x6D0]  }
0xb0: {  	v46 =	vld [tilespmem:s20+$0xD0]  }
0xb1: {  	v47 =	vld [tilespmem:s20+$0x150]  }
0xb2: {  	v48 =	vld [tilespmem:s28+$0x750]  }
0xb3: {  	v49 =	vld [tilespmem:s20+$0x1D0];
	_ =	sdelay $0x1  }
0xb4: {  	v50 =	vld [tilespmem:s28+$0x7D0]  }
0xb5: {  	v2 =	vshll.u32 v2, $0x3;
	v4 =	vshll.u32 v46, $0x3  }
0xb6: {  	v1 =	vshrl.u32 v1, v2;
	v2 =	vshrl.u32 v3, v4;
	v3 =	vshll.u32 v47, $0x3  }
0xb7: {  	v51 =	vshll.u32 v49, $0x3;
	v2 =	vshll.u32 v2, $0x8;
	v3 =	vshrl.u32 v48, v3  }
0xb8: {  	v1 =	vand.u32 $0xFF, v1;
	v2 =	vand.u32 $0xFF00, v2;
	v3 =	vshll.u32 v3, $0x10  }
0xb9: {  	v1 =	vor.u32 v1, v2;
	v2 =	vand.u32 $0xFF0000, v3;
	v3 =	vshrl.u32 v50, v51  }
0xba: {  	v1 =	vor.u32 v2, v1;
	v2 =	vshll.u32 v3, $0x18  }
0xbb: {  	v1 =	vor.u32 v2, v1  }
0xbc: {  	[tilespmem:s21+$0xA50] =	vst v1  }
0xbd: {  	v1 =	vld [tilespmem:s28+$0x660]  }
0xbe: {  	v2 =	vld [tilespmem:s20+$0x60]  }
0xbf: {  	v3 =	vld [tilespmem:s28+$0x6E0]  }
0xc0: {  	v52 =	vld [tilespmem:s20+$0xE0]  }
0xc1: {  	v53 =	vld [tilespmem:s20+$0x160]  }
0xc2: {  	v54 =	vld [tilespmem:s28+$0x760]  }
0xc3: {  	v55 =	vld [tilespmem:s20+$0x1E0];
	_ =	sdelay $0x1  }
0xc4: {  	v56 =	vld [tilespmem:s28+$0x7E0]  }
0xc5: {  	v2 =	vshll.u32 v2, $0x3;
	v4 =	vshll.u32 v52, $0x3  }
0xc6: {  	v1 =	vshrl.u32 v1, v2;
	v2 =	vshrl.u32 v3, v4;
	v3 =	vshll.u32 v53, $0x3  }
0xc7: {  	v57 =	vshll.u32 v55, $0x3;
	v2 =	vshll.u32 v2, $0x8;
	v3 =	vshrl.u32 v54, v3  }
0xc8: {  	v1 =	vand.u32 $0xFF, v1;
	v2 =	vand.u32 $0xFF00, v2;
	v3 =	vshll.u32 v3, $0x10  }
0xc9: {  	v1 =	vor.u32 v1, v2;
	v2 =	vand.u32 $0xFF0000, v3;
	v3 =	vshrl.u32 v56, v57  }
0xca: {  	v1 =	vor.u32 v2, v1;
	v2 =	vshll.u32 v3, $0x18  }
0xcb: {  	v1 =	vor.u32 v2, v1  }
0xcc: {  	[tilespmem:s21+$0xA60] =	vst v1  }
0xcd: {  	v1 =	vld [tilespmem:s28+$0x670]  }
0xce: {  	v2 =	vld [tilespmem:s20+$0x70]  }
0xcf: {  	v3 =	vld [tilespmem:s28+$0x6F0]  }
0xd0: {  	v58 =	vld [tilespmem:s20+$0xF0]  }
0xd1: {  	v59 =	vld [tilespmem:s20+$0x170]  }
0xd2: {  	v60 =	vld [tilespmem:s28+$0x770]  }
0xd3: {  	v61 =	vld [tilespmem:s20+$0x1F0];
	_ =	sdelay $0x1  }
0xd4: {  	v62 =	vld [tilespmem:s28+$0x7F0]  }
0xd5: {  	v2 =	vshll.u32 v2, $0x3;
	v4 =	vshll.u32 v58, $0x3  }
0xd6: {  	v1 =	vshrl.u32 v1, v2;
	v2 =	vshrl.u32 v3, v4;
	v3 =	vshll.u32 v59, $0x3  }
0xd7: {  	v63 =	vshll.u32 v61, $0x3;
	v3 =	vshrl.u32 v60, v3;
	v2 =	vshll.u32 v2, $0x8  }
0xd8: {  	v1 =	vand.u32 $0xFF, v1;
	v2 =	vand.u32 $0xFF00, v2;
	v3 =	vshll.u32 v3, $0x10  }
.Ltmp5:
0xd9: {  	v1 =	vor.u32 v1, v2;
	v2 =	vshrl.u32 v62, v63;
	v3 =	vand.u32 $0xFF0000, v3;
	(pc) =	sbr.rel .LBB2_7-.Ltmp5, $4  }
0xda: {  	v1 =	vor.u32 v3, v1;
	v2 =	vshll.u32 v2, $0x18  }
0xdb: {  	s29 =	sshrl.u32 s18, $0x2;
	s30 =	sshrl.u32 s18, $0x5;
	v1 =	vor.u32 v2, v1  }
0xdc: {  	s18 =	sadd.s32 s30, s3;
	s31 =	sor.u32 $0xA00, s21;
	s19 =	sand.u32 $0x7, s29;
	[tilespmem:s21+$0xA70] =	vst v1  }
0xdd: {  	[hbm4b:s18+s19] =	stream.linear.scatter [tilespmem:s31], [sflag:$0x4], $0x80, $0x38;
	[tilespmem:$0xB00] =	vst v63  }
.LBB2_8:
0xde: {  	_ =	sfence.sel $0x180000  }
0xdf: {  	s2 =	simm.s32 $0x2;
	[bflag:$0x0] =	sbarrier.arrive $0xFFFF  }
0xe0: {  	s29 =	simm.s32 $0x3;
	[sflag:s2] =	ssyncpa.u1 $0x1  }
0xe1: {  	s30 =	simm.s32 $0x4;
	[sflag:s29] =	ssyncpa.u1 $0x1  }
0xe2: {  	s31 =	simm.s32 $0x1;
	[sflag:s30] =	ssyncpa.u1 $0x1  }
0xe3: {  	[sflag:s31] =	ssyncpa.u1 $0x1  }
0xe4: {  	p0 =	sne.s32 s0, $0x0;
	_ =	strace $0x9000004D  }
0xe5: {  	s0 =	sadd.s32 @!p0 $0x100000, s1;
	[bflag:$0x2] =	sbarrier.arrive $0xFFFF  }
0xe6: {  	[sflag:s0] =	ssyncadd.tile.s32 @!p0 $0x1;
	_ =	shalt  }
.Lfunc_end2:
_tile_overlayer_lowered:
.L_overlay_start_2:
0xe7: {  	(tag) =	ssettag $0x2  }
0xe8: {  	s0 =	rddreg [dreg:$0x0];
	s2 =	stileid.u32  }
0xe9: {  	s1 =	rddreg [dreg:$0x1];
	p0 =	sne.s32 s2, $0x0  }
0xea: {  	s3 =	rddreg [dreg:$0x2];
	[bflag:$0x3] =	sbarrier.arrive $0xFFFF;
	s2 =	simm.s32 @!p0 $0x1C01  }
0xeb: {  	[timem:s3], [sflag:s2] =	dma.local @!p0 [hbm:s0], s1  }
0xec: {  	s0 =	simm.s32 @!p0 $0x1  }
0xed: {  	_ =	swait.ge @!p0 [sflag:s0], s1  }
0xee: {  	s1 =	ssub.s32 @!p0 $0x0, s1;
	[sflag:s0] =	ssyncset.done @!p0 $0x0  }
0xef: {  	[sflag:s0] =	ssyncadd.s32 @!p0 s1  }
0xf0: {  	[bflag:$0x3] =	sbarrier.arrive $0xFFFF  }
0xf1: {  	_ =	shalt  }

// kernel: gather_offload_async_start.3
scs
__scs_entry_jumppad:
0x0: {  	(pc) =	sbr.rel $0x88, $3  }
0x1: {  	(tag) =	ssettag $0x0;
	lr =	simm.s32 $0x1  }
0x2: {  	[smem:$0x3F9B] =	sst lr;
	_ =	strace $0xD0000000  }
0x3: {  	_ = 	snop  }
0x4: {  	_ = 	snop  }
0x5: {  	_ = 	snop  }
0x6: {  	_ = 	snop  }
0x7: {  	_ = 	snop  }
__scs_overlays_trampoline_lowered:
0x8: {  	[smem:$0x3FAA] =	sst s0  }
0x9: {  	[smem:$0x3FAB] =	sst s1  }
0xa: {  	[smem:$0x3FAC] =	sst s2  }
0xb: {  	[smem:$0x3FAD] =	sst s3  }
0xc: {  	[smem:$0x3FAE] =	sst s4  }
0xd: {  	[smem:$0x3FAF] =	sst s5  }
0xe: {  	[smem:$0x3FB0] =	sst s6  }
0xf: {  	[smem:$0x3FB1] =	sst s7  }
0x10: {  	[smem:$0x3FB2] =	sst s8  }
0x11: {  	[smem:$0x3FB3] =	sst s9;
	s0 =	simm.s32 @!p0 $0x0  }
0x12: {  	s1 =	sld [smem:$0x3F99];
	s0 =	simm.s32 @p0 $0x1  }
0x13: {  	[smem:$0x3FB4] =	sst s0;
	s0 =	simm.s32 @!p1 $0x0  }
0x14: {  	s2 =	sld [smem:$0x3F98];
	s0 =	simm.s32 @p1 $0x1  }
0x15: {  	[smem:$0x3FB5] =	sst s0;
	s0 =	simm.s32 @!p2 $0x0  }
0x16: {  	s3 =	sld [smem:$0x3FDB];
	s0 =	simm.s32 @p2 $0x1  }
0x17: {  	s4 =	simm.s32 $0x1BF5;
	[smem:$0x3FB7] =	sst s0  }
0x18: {  	s0 =	sld [smem:$0x3F9A];
	_ =	swait.ge [sflag:s4], $0x0  }
0x19: {  	s7 =	sld [smem:$0x3F9B]  }
0x1a: {  	s8 =	sadd.s32 $0xFFFFE003, lr  }
0x1b: {  	s9 =	sadd.s32 $0xFFFFFEF7, lr;
	s5 =	simm.s32 $0xFFFFFFFF;
	p2 =	slt.u32 s8, $0xFFFFF086  }
0x1c: {  	p1 =	slt.u32 s9, $0xF7A;
	s5 =	simm.s32 @!p2 $0x0  }
0x1d: {  	s5 =	simm.s32 @p1 $0x1;
	p0 =	seq.s32 s7, s2  }
0x1e: {  	s7 =	smul.u32 @!p0 $0xF7A, s2;
	p2 =	seq.s32 @!p0 s5, $0x0  }
0x1f: {  	s9 =	smul.u32 $0xF7A, s1;
	s8 =	simm.s32 @!p0 $0x1BF5;
	p2 =	por !p2, p0  }
0x20: {  	[sflag:s8] =	ssyncset.s32 @!p0 $0xFFFFF086;
	s6 =	sadd.s32 @!p0 s3, s7;
	s7 =	simm.s32 @!p0 $0x108  }
0x21: {  	s3 =	sadd.s32 s3, s9;
	s6 =	sadd.s32 @!p0 $0x88, s6;
	s7 =	simm.s32 @p2 $0x1082  }
0x22: {  	[simem:s7], [sflag:s8] =	dma.local @!p0 [hbm:s6], $0xF7A  }
0x23: {  	s9 =	sor.u32 $0xD0000000, s2;
	s6 =	simm.s32 $0x108;
	_ =	swait.ge @!p0 [sflag:s8], $0x0  }
0x24: {  	s3 =	sadd.s32 $0x88, s3;
	s6 =	simm.s32 @!p1 $0x1082;
	[sflag:s4] =	ssyncset.s32 $0xFFFFF086  }
0x25: {  	[simem:s6], [sflag:s4] =	dma.local [hbm:s3], $0xF7A  }
0x26: {  	[smem:$0x3F9B] =	sst s1;
	(tag) =	ssettag s2;
	_ =	strace s9  }
0x27: {  	s1 =	sld [smem:$0x3FAB]  }
0x28: {  	s2 =	sld [smem:$0x3FAC]  }
0x29: {  	s4 =	sld [smem:$0x3FAE]  }
0x2a: {  	p0 =	seq.s32 s5, $0x0;
	s5 =	sld [smem:$0x3FAF]  }
0x2b: {  	s6 =	sld [smem:$0x3FB0]  }
0x2c: {  	s7 =	sld [smem:$0x3FB1]  }
0x2d: {  	s3 =	simm.s32 $0x108;
	s8 =	sld [smem:$0x3FB2]  }
0x2e: {  	s3 =	simm.s32 @!p0 $0x1082;
	s9 =	sld [smem:$0x3FB3]  }
0x2f: {  	lr =	sadd.s32 s0, s3;
	s0 =	sld [smem:$0x3FAA]  }
0x30: {  	s3 =	sld [smem:$0x3FAD]  }
0x31: {  	[smem:$0x3FB6] =	sst s10  }
0x32: {  	s10 =	sld [smem:$0x3FB4];
	_ =	sdelay $0x3  }
0x33: {  	p0 =	seq.s32 s10, $0x1;
	s10 =	sld [smem:$0x3FB6];
	_ =	sdelay $0x3  }
0x34: {  	[smem:$0x3FB6] =	sst s10  }
0x35: {  	s10 =	sld [smem:$0x3FB5];
	_ =	sdelay $0x3  }
0x36: {  	p1 =	seq.s32 s10, $0x1;
	s10 =	sld [smem:$0x3FB6];
	_ =	sdelay $0x3  }
0x37: {  	[smem:$0x3FB6] =	sst s10  }
0x38: {  	s10 =	sld [smem:$0x3FB7]  }
0x39: {  	_ = 	snop;
	(pc) =	sbr.ind lr, $3  }
0x3a: {  	_ = 	snop  }
0x3b: {  	_ = 	snop  }
0x3c: {  	p2 =	seq.s32 s10, $0x1;
	s10 =	sld [smem:$0x3FB6]  }
0x3d: {  	_ =	shalt  }
0x3e: {  	_ =	shalt  }
0x3f: {  	_ =	shalt  }
0x40: {  	_ =	shalt  }
0x41: {  	_ =	shalt  }
0x42: {  	_ =	shalt  }
0x43: {  	_ =	shalt  }
0x44: {  	_ =	shalt  }
0x45: {  	_ =	shalt  }
0x46: {  	_ =	shalt  }
0x47: {  	_ =	shalt  }
0x48: {  	_ =	shalt  }
0x49: {  	_ =	shalt  }
0x4a: {  	_ =	shalt  }
0x4b: {  	_ =	shalt  }
0x4c: {  	_ =	shalt  }
0x4d: {  	_ =	shalt  }
0x4e: {  	_ =	shalt  }
0x4f: {  	_ =	shalt  }
0x50: {  	_ =	shalt  }
0x51: {  	_ =	shalt  }
0x52: {  	_ =	shalt  }
0x53: {  	_ =	shalt  }
0x54: {  	_ =	shalt  }
0x55: {  	_ =	shalt  }
0x56: {  	_ =	shalt  }
0x57: {  	_ =	shalt  }
0x58: {  	_ =	shalt  }
0x59: {  	_ =	shalt  }
0x5a: {  	_ =	shalt  }
0x5b: {  	_ =	shalt  }
0x5c: {  	_ =	shalt  }
0x5d: {  	_ =	shalt  }
0x5e: {  	_ =	shalt  }
0x5f: {  	_ =	shalt  }
0x60: {  	_ =	shalt  }
0x61: {  	_ =	shalt  }
0x62: {  	_ =	shalt  }
0x63: {  	_ =	shalt  }
0x64: {  	_ =	shalt  }
0x65: {  	_ =	shalt  }
0x66: {  	_ =	shalt  }
0x67: {  	_ =	shalt  }
0x68: {  	_ =	shalt  }
0x69: {  	_ =	shalt  }
0x6a: {  	_ =	shalt  }
0x6b: {  	_ =	shalt  }
0x6c: {  	_ =	shalt  }
0x6d: {  	_ =	shalt  }
0x6e: {  	_ =	shalt  }
0x6f: {  	_ =	shalt  }
0x70: {  	_ =	shalt  }
0x71: {  	_ =	shalt  }
0x72: {  	_ =	shalt  }
0x73: {  	_ =	shalt  }
0x74: {  	_ =	shalt  }
0x75: {  	_ =	shalt  }
0x76: {  	_ =	shalt  }
0x77: {  	_ =	shalt  }
0x78: {  	_ =	shalt  }
0x79: {  	_ =	shalt  }
0x7a: {  	_ =	shalt  }
0x7b: {  	_ =	shalt  }
0x7c: {  	_ =	shalt  }
0x7d: {  	_ =	shalt  }
0x7e: {  	_ =	shalt  }
0x7f: {  	_ =	shalt  }
0x80: {  	_ =	shalt  }
0x81: {  	_ =	shalt  }
0x82: {  	_ =	shalt  }
0x83: {  	_ =	shalt  }
0x84: {  	_ =	shalt  }
0x85: {  	_ =	shalt  }
0x86: {  	_ =	shalt  }
0x87: {  	_ =	shalt  }
.Lfunc_end0:
.L_simem_size_0:
called_computation.3_lowered:
.L_overlay_start_0:
0x88: {  	s0 =	sld [smem:$0x3FD9]  }
0x89: {  	s1 =	sld [smem:$0x3FFE];
	_ =	sdelay $0x3  }
0x8a: {  	s0 =	sadd.s32 s1, s0  }
0x8b: {  	[smem:$0x3FC2] =	sst s0  }
0x8c: {  	_ = 	snop  }
0x8d: {  	(tm) =	ssettm $0x1  }
0x8e: {  	s15 =	sld [smem:$0x3FFB];
	_ =	sdelay $0x3  }
0x8f: {  	_ =	strace s15  }
0x90: {  	s0 =	sld [smem:$0x3FFC];
	_ =	sdelay $0x3  }
0x91: {  	_ =	strace s0  }
0x92: {  	s0 =	sld [smem:$0x3FFD];
	_ =	sdelay $0x3  }
0x93: {  	_ =	strace s0  }
0x94: {  	_ =	strace $0x8FFFFFFF  }
0x95: {  	s16 =	sld [smem:$0x3FDB];
	_ =	sdelay $0x1  }
0x96: {  	s17 =	simm.s32 $_scs_section_size  }
0x97: {  	s2 =	simm.s32 $_size__tile_overlayer_lowered;
	s3 =	simm.s32 $_tile_overlayer_lowered  }
0x98: {  	s20 =	simm.s32 $0x1BFF;
	s19 =	sshll.u32 s3, $0x1;
	s0 =	sadd.s32 s17, s16  }
0x99: {  	s4 =	simm.s32 $0x0;
	s18 =	sshll.u32 s2, $0x1;
	s2 =	sadd.s32 s19, s0  }
0x9a: {  	[timem:s4], [sflag:s20] =	dma.local [hbm:s2], s18  }
0x9b: {  	_ =	swait.ge [sflag:s20], s18  }
0x9c: {  	s1 =	ssub.s32 $0x0, s18;
	[sflag:s20] =	ssyncset.done $0x0  }
0x9d: {  	[sflag:s20] =	ssyncadd.s32 s1;
	_ =	sdelay $0x1  }
0x9e: {  	s21 =	simm.s32 $0x1B8B  }
0x9f: {  	_ =	swait.ge [sflag:s21], $0x1  }
0xa0: {  	[sflag:s21] =	ssyncset.done $0x0  }
0xa1: {  	s23 =	simm.s32 $0x1B8E;
	s22 =	sld [smem:$0x3FFE];
	[sflag:s21] =	ssyncadd.s32 $0xFFFFFFFF  }
0xa2: {  	s24 =	simm.s32 $execute0_lowered;
	[smem:$0x3FD2] =	sst s23  }
0xa3: {  	s2 =	sshll.u32 s24, $0x1;
	_ =	strace $0x80000049;
	[dreg:$0x1] =	wrdreg $0xFFFFFFFF  }
0xa4: {  	s25 =	simm.s32 $_size_execute0_lowered;
	s0 =	sadd.s32 s0, s2;
	[dreg:$0x0] =	wrdreg $0x0  }
0xa5: {  	s2 =	sshll.u32 s25, $0x1;
	[dreg:$0x2] =	wrdreg s0  }
0xa6: {  	[dreg:$0x3] =	wrdreg s2  }
0xa7: {  	[dreg:$0x4] =	wrdreg $0xC0  }
0xa8: {  	_ =	task [dreg:s4], $0x5FFFF  }
0xa9: {  	[dreg:$0x1] =	wrdreg $0xFFFFFFFF  }
0xaa: {  	[dreg:$0x0] =	wrdreg $0x60  }
0xab: {  	[dreg:$0x2] =	wrdreg s22  }
0xac: {  	[dreg:$0x3] =	wrdreg $0x9  }
0xad: {  	_ =	task.clear_ibuf [dreg:s4], $0x4FFFF;
	_ =	strace $0x90000049  }
0xae: {  	s26 =	simm.s32 $0x9;
	_ =	strace $0x8000004B  }
0xaf: {  	_ =	swait.ge [sflag:s26], $0x1  }
0xb0: {  	[sflag:s26] =	ssyncadd.s32 $0xFFFFFFFF  }
0xb1: {  	_ =	strace $0x9000004B  }
0xb2: {  	_ =	sfence  }
0xb3: {  	s28 =	sld [smem:$0x0];
	_ =	sdelay $0x1  }
0xb4: {  	s29 =	srdreg.scid  }
0xb5: {  	s30 =	sshll.u32 s29, $0xD;
	s31 =	sshrl.u32 s29, $0x2  }
0xb6: {  	s1 =	sand.u32 $0x1, s29;
	s2 =	sand.u32 $0x4000, s30;
	s0 =	sadd.s32 s31, s28  }
0xb7: {  	s1 =	sor.u32 s2, s1;
	s0 =	sshll.u32 s0, $0x11  }
0xb8: {  	s0 =	sor.u32 s0, s1  }
0xb9: {  	s0 =	sadd.s32 $0x8F2B, s0  }
0xba: {  	[sflag:s0] =	ssyncadd.remote.s32 $0x1  }
0xbb: {  	_ =	sfence.sel $0xFFFF  }
0xbc: {  	[dreg:$0x0] =	wrdreg $0xFFFFFFFF;
	(pc) =	sbr.abs _section_cstart, $3  }
0xbd: {  	[dreg:$0x1] =	wrdreg $0xFFFFFFFF  }
0xbe: {  	_ =	task.clear_ibuf [dreg:s4], $0x2FFFF;
	_ =	strace $0x9FFFFFFF  }
0xbf: {  	(tm) =	ssettm $0x7FFFFFFF  }
tec
execute0_lowered:
.L_overlay_start_1:
0x0: {  	(tag) =	ssettag $0x1  }
0x1: {  	s2 =	rddreg [dreg:$0x0]  }
0x2: {  	s0 =	rddreg [dreg:$0x1]  }
0x3: {  	s1 =	stileid.u32;
	_ =	strace $0x8000004A;
	s5 =	simm.s32 $0x1  }
0x4: {  	s6 =	simm.s32 $0x500;
	s8 =	simm.s32 $0x1;
	s9 =	simm.s32 $0x3  }
0x5: {  	s10 =	simm.s32 $0x0;
	s13 =	simm.s32 $0x0;
	s4 =	smul.u32 $0x50, s1  }
0x6: {  	s12 =	simm.s32 $0x0;
	s3 =	sadd.s32 $0x400, s2;
	p0 =	slt.u32 s1, $0xA  }
.Ltmp0:
0x7: {  	s6 =	simm.s32 @!p0 $0x0;
	s7 =	ssub.s32 $0x7D0, s4;
	(pc) =	sbr.rel .LBB2_1-.Ltmp0, $4  }
0x8: {  	s8 =	simm.s32 @!p0 $0x0;
	p0 =	sne.s32 s7, s6;
	s7 =	simm.s32 $0x1  }
0x9: {  	[sflag:s5] =	ssyncpa.u1 $0x0;
	s6 =	simm.s32 $0x2;
	s7 =	simm.s32 @!p0 $0x0  }
0xa: {  	s11 =	smov.u32 s4;
	[sflag:s6] =	ssyncpa.u1 $0x0;
	s7 =	sadd.s32 s8, s7  }
0xb: {  	vm0 =	vmmov $0xffff;
	s8 =	sadd.s32 $0x600, s2;
	[sflag:s9] =	ssyncpa.u1 $0x0;
	s9 =	sadd.s32 $0x1, s7  }
.LBB2_4:
0xc: {  	v5 =	vld.msk [tilespmem:s18+$0x0 ss:$0x1], $0xffff  }
0xd: {  	v6 =	vand.u32 $0x1, v1;
	v7 =	vshrl.u32 v1, $0x1  }
0xe: {  	v3 =	vor.u32 v4, v3;
	vm1 =	veq.s32 v1, $0x80000000;
	v53 =	vand.u32 $0x3FF, v7  }
0xf: {  	v2 =	vor.u32 v2, v3;
	v54 =	vsel vm1, $0xFFFFFFFF, v6;
	v1 =	vsel vm1, $0xFFFFFFFF, v53  }
0x10: {  	v6 =	vshll.u32 v54, $0x7;
	v3 =	vand.u32 $0xFFFFF800, v54;
	v55 =	vand.u32 $0x7F, v1  }
0x11: {  	v1 =	vshll.u32 v1, $0x1;
	v6 =	vand.u32 $0x80, v6;
	v56 =	vshrl.u32 v5, $0x1  }
0x12: {  	v1 =	vand.u32 $0xFFFFFF00, v1;
	vm1 =	veq.s32 v5, $0x80000000;
	v57 =	vand.u32 $0x3FF, v56  }
0x13: {  	v1 =	vadd.s32 v3, v1;
	v5 =	vand.u32 $0x1, v5;
	v3 =	vsel vm1, $0xFFFFFFFF, v57  }
0x14: {  	v1 =	vor.u32 v6, v1;
	v5 =	vsel vm1, $0xFFFFFFFF, v5;
	v58 =	vshll.u32 v3, $0x1  }
0x15: {  	v59 =	vshll.u32 v5, $0x7;
	v5 =	vand.u32 $0xFFFFF800, v5;
	v6 =	vand.u32 $0xFFFFFF00, v58  }
0x16: {  	v1 =	vor.u32 v55, v1;
	v61 =	vand.u32 $0x80, v59;
	v60 =	vadd.s32 v5, v6  }
0x17: {  	[tilespmem:s16], [sflag:$0x1] =	stream.indirect_vreg.gather [hbm4b:s2+s10], $0x1, v0, vm0, $0x4038;
	v62 =	vand.u32 $0x7F, v3;
	v63 =	vor.u32 v61, v60;
	[tilespmem:$0x140] =	vst v63  }
0x18: {  	(ifvalue) =	ssetifvalue $0x7FFFFFFF;
	v0 =	vor.u32 v62, v63  }
0x19: {  	[tilespmem:s15], [sflag:$0x1] =	stream.indirect_vreg.gather [hbm4b:s2+s10], $0x1, v2, vm0, $0x4038;
	[tilespmem:$0x140] =	vst v63  }
0x1a: {  	s29 =	sadd.s32 $0x10, s15;
	(ifvalue) =	ssetifvalue $0x7FFFFFFF  }
0x1b: {  	[tilespmem:s29], [sflag:$0x1] =	stream.indirect_vreg.gather [hbm4b:s2+s10], $0x1, v1, vm0, $0x4038;
	[tilespmem:$0x140] =	vst v63  }
0x1c: {  	s15 =	sadd.s32 $0x10, s29;
	(ifvalue) =	ssetifvalue $0x7FFFFFFF  }
0x1d: {  	[tilespmem:s15], [sflag:$0x1] =	stream.indirect_vreg.gather [hbm4b:s2+s10], $0x1, v0, vm0, $0x4038;
	[tilespmem:$0x140] =	vst v63  }
0x1e: {  	_ =	swait.ge [sflag:s5], $0x50  }
0x1f: {  	s30 =	sshrl.u32 s13, $0x3;
	[sflag:s5] =	ssyncset.done $0x0  }
0x20: {  	s31 =	sand.u32 $0x7, s13;
	s15 =	sadd.s32 s8, s30;
	[sflag:s5] =	ssyncadd.s32 $0xFFFFFFB0  }
0x21: {  	[hbm4b:s15+s31] =	stream.linear.scatter [tilespmem:s14], [sflag:$0x3], $0x50, $0x38;
	[tilespmem:$0x140] =	vst v63  }
.LBB2_5:
0x22: {  	s15 =	sadd.s32 $0x500, s11  }
0x23: {  	p1 =	sgt.s32 s15, $0x7CF  }
0x24: {  	s15 =	smov.u32 @p1 s4;
	p1 =	sne.s32 s12, s9  }
.Ltmp1:
0x25: {  	p0 =	slt.u32 s12, $0x2;
	(pc) =	sbr.rel @!p1 .LBB2_6-.Ltmp1, $4  }
0x26: {  	s14 =	simm.s32 @!p0 $0x3  }
0x27: {  	_ =	swait.ge @!p0 [sflag:s14], $0x50  }
0x28: {  	s16 =	sadd.s32 $0x1, s12;
	s13 =	smov.u32 s11;
	[sflag:s14] =	ssyncset.done @!p0 $0x0  }
0x29: {  	s12 =	smov.u32 s16;
	s11 =	smov.u32 s15;
	[sflag:s14] =	ssyncadd.s32 @!p0 $0xFFFFFFB0  }
.LBB2_1:
0x2a: {  	p0 =	sge.u32 s12, s7  }
0x2b: {  	s14 =	sxor.u32 @!p0 $0x1, s12  }
0x2c: {  	s14 =	smul.u32 @!p0 $0x140, s14  }
0x2d: {  	s31 =	sadd.s32 $0xFFFFFFFF, s12;
	s15 =	sshrl.u32 @!p0 s11, $0x3  }
0x2e: {  	s16 =	sand.u32 @!p0 $0x7, s11;
	s15 =	sadd.s32 @!p0 s3, s15;
	s14 =	sshra.s32 @!p0 s14, $0x2  }
0x2f: {  	[tilespmem:s14], [sflag:$0x2] =	stream.linear.gather @!p0 [hbm4b:s15+s16], $0x50, $0x38;
	[tilespmem:$0x140] =	vst v63  }
0x30: {  	p0 =	sge.u32 s31, s7  }
.Ltmp2:
0x31: {  	_ = 	snop;
	(pc) =	sbr.rel @p0 .LBB2_5-.Ltmp2, $1  }
0x32: {  	_ =	sdelay $0x3  }
0x33: {  	s14 =	sand.u32 $0x1, s12  }
0x34: {  	_ =	swait.ge [sflag:s6], $0x50;
	p0 =	seq.s32 s14, $0x1;
	s14 =	simm.s32 $0x50  }
0x35: {  	[sflag:s6] =	ssyncset.done $0x0;
	s14 =	simm.s32 @!p0 $0x0  }
0x36: {  	[sflag:s6] =	ssyncadd.s32 $0xFFFFFFB0;
	(ifvalue) =	ssetifvalue $0x7FFFFFFF;
	v0 =	vld.msk [tilespmem:s14+$0x0 ss:$0x1], $0xffff;
	_ =	sdelay $0x4  }
0x37: {  	s15 =	sadd.s32 $0x10, s14;
	v2 =	vshrl.u32 v0, $0x1  }
0x38: {  	v1 =	vld.msk [tilespmem:s15+$0x0 ss:$0x1], $0xffff;
	vm1 =	veq.s32 v0, $0x80000000;
	v2 =	vand.u32 $0x3FF, v2  }
0x39: {  	v0 =	vand.u32 $0x1, v0;
	v2 =	vsel vm1, $0xFFFFFFFF, v2  }
0x3a: {  	v0 =	vsel vm1, $0xFFFFFFFF, v0;
	v3 =	vshll.u32 v2, $0x1  }
0x3b: {  	v4 =	vand.u32 $0xFFFFF800, v0;
	v0 =	vshll.u32 v0, $0x7;
	v3 =	vand.u32 $0xFFFFFF00, v3  }
0x3c: {  	v0 =	vand.u32 $0x80, v0;
	v3 =	vadd.s32 v4, v3  }
0x3d: {  	v2 =	vand.u32 $0x7F, v2;
	v4 =	vshrl.u32 v1, $0x1;
	v0 =	vor.u32 v0, v3  }
0x3e: {  	vm1 =	veq.s32 v1, $0x80000000;
	v4 =	vand.u32 $0x3FF, v4;
	v0 =	vor.u32 v2, v0  }
0x3f: {  	s15 =	sadd.s32 $0x10, s15;
	v1 =	vand.u32 $0x1, v1;
	v3 =	vsel vm1, $0xFFFFFFFF, v4  }
0x40: {  	s14 =	sor.u32 $0xA0, s14;
	v2 =	vsel vm1, $0xFFFFFFFF, v1;
	v1 =	vld.msk [tilespmem:s15+$0x0 ss:$0x1], $0xffff;
	v4 =	vshll.u32 v3, $0x1  }
0x41: {  	s17 =	simm.s32 $0x30;
	s16 =	smov.u32 s14;
	v5 =	vshll.u32 v2, $0x7;
	v6 =	vand.u32 $0xFFFFF800, v2;
	v4 =	vand.u32 $0xFFFFFF00, v4  }
0x42: {  	s18 =	sadd.s32 $0x10, s15;
	(ifvalue) =	ssetifvalue $0x7FFFFFFF;
	s15 =	sadd.s32 $0x10, s14;
	v2 =	vand.u32 $0x7F, v3;
	v3 =	vadd.s32 v6, v4;
	v4 =	vand.u32 $0x80, v5  }
.LBB2_3:
0x43: {  	[tilespmem:s16], [sflag:$0x1] =	stream.indirect_vreg.gather [hbm4b:s2+s10], $0x1, v0, vm0, $0x4038;
	[tilespmem:$0x140] =	vst v63  }
0x44: {  	s17 =	sadd.s32 $0x10, s17  }
0x45: {  	v5 =	vand.u32 $0x1, v1;
	v6 =	vshrl.u32 v1, $0x1;
	v3 =	vor.u32 v4, v3;
	v0 =	vmovc v1;
	v1 =	vld.msk [tilespmem:s18+$0x0 ss:$0x1], $0xffff;
	p0 =	slt.u32 s17, $0x40  }
.Ltmp3:
0x46: {  	s16 =	smov.u32 s15;
	vm1 =	veq.s32 v0, $0x80000000;
	v4 =	vand.u32 $0x3FF, v6;
	v0 =	vor.u32 v2, v3;
	(pc) =	sbr.rel @p0 .LBB2_3-.Ltmp3, $4  }
0x47: {  	v3 =	vsel vm1, $0xFFFFFFFF, v5;
	v4 =	vsel vm1, $0xFFFFFFFF, v4  }
0x48: {  	v2 =	vand.u32 $0x7F, v4;
	v4 =	vshll.u32 v4, $0x1;
	v5 =	vshll.u32 v3, $0x7  }
0x49: {  	v3 =	vand.u32 $0xFFFFF800, v3;
	v4 =	vand.u32 $0xFFFFFF00, v4  }
0x4a: {  	s18 =	sadd.s32 $0x10, s18;
	s15 =	sadd.s32 $0x10, s15;
	v3 =	vadd.s32 v3, v4;
	v4 =	vand.u32 $0x80, v5;
	(ifvalue) =	ssetifvalue $0x7FFFFFFF  }
.Ltmp4:
0x4b: {  	_ = 	snop;
	(pc) =	sbr.rel .LBB2_4-.Ltmp4, $1  }
0x4c: {  	_ =	sdelay $0x3  }
.LBB2_6:
0x4d: {  	_ =	sfence.sel $0x180000  }
0x4e: {  	s2 =	simm.s32 $0x2;
	[bflag:$0x0] =	sbarrier.arrive $0xFFFF  }
0x4f: {  	s30 =	simm.s32 $0x3;
	[sflag:s2] =	ssyncpa.u1 $0x1  }
0x50: {  	s31 =	simm.s32 $0x1;
	[sflag:s30] =	ssyncpa.u1 $0x1  }
0x51: {  	[sflag:s31] =	ssyncpa.u1 $0x1  }
0x52: {  	p0 =	sne.s32 s1, $0x0;
	_ =	strace $0x9000004A  }
0x53: {  	s0 =	sadd.s32 @!p0 $0x100000, s0;
	[bflag:$0x2] =	sbarrier.arrive $0xFFFF  }
0x54: {  	[sflag:s0] =	ssyncadd.tile.s32 @!p0 $0x1;
	_ =	shalt  }
.Lfunc_end2:
_tile_overlayer_lowered:
.L_overlay_start_2:
0x55: {  	(tag) =	ssettag $0x2  }
0x56: {  	s0 =	rddreg [dreg:$0x0];
	s2 =	stileid.u32  }
0x57: {  	s1 =	rddreg [dreg:$0x1];
	p0 =	sne.s32 s2, $0x0  }
0x58: {  	s3 =	rddreg [dreg:$0x2];
	[bflag:$0x3] =	sbarrier.arrive $0xFFFF;
	s2 =	simm.s32 @!p0 $0x1C01  }
0x59: {  	[timem:s3], [sflag:s2] =	dma.local @!p0 [hbm:s0], s1  }
0x5a: {  	s0 =	simm.s32 @!p0 $0x1  }
0x5b: {  	_ =	swait.ge @!p0 [sflag:s0], s1  }
0x5c: {  	s1 =	ssub.s32 @!p0 $0x0, s1;
	[sflag:s0] =	ssyncset.done @!p0 $0x0  }
0x5d: {  	[sflag:s0] =	ssyncadd.s32 @!p0 s1  }
0x5e: {  	[bflag:$0x3] =	sbarrier.arrive $0xFFFF  }
0x5f: {  	_ =	shalt  }

// kernel: gather_offload_async_start
scs
__scs_entry_jumppad:
0x0: {  	(pc) =	sbr.rel $0x88, $3  }
0x1: {  	(tag) =	ssettag $0x0;
	lr =	simm.s32 $0x1  }
0x2: {  	[smem:$0x3F9B] =	sst lr;
	_ =	strace $0xD0000000  }
0x3: {  	_ = 	snop  }
0x4: {  	_ = 	snop  }
0x5: {  	_ = 	snop  }
0x6: {  	_ = 	snop  }
0x7: {  	_ = 	snop  }
__scs_overlays_trampoline_lowered:
0x8: {  	[smem:$0x3FAA] =	sst s0  }
0x9: {  	[smem:$0x3FAB] =	sst s1  }
0xa: {  	[smem:$0x3FAC] =	sst s2  }
0xb: {  	[smem:$0x3FAD] =	sst s3  }
0xc: {  	[smem:$0x3FAE] =	sst s4  }
0xd: {  	[smem:$0x3FAF] =	sst s5  }
0xe: {  	[smem:$0x3FB0] =	sst s6  }
0xf: {  	[smem:$0x3FB1] =	sst s7  }
0x10: {  	[smem:$0x3FB2] =	sst s8  }
0x11: {  	[smem:$0x3FB3] =	sst s9;
	s0 =	simm.s32 @!p0 $0x0  }
0x12: {  	s1 =	sld [smem:$0x3F99];
	s0 =	simm.s32 @p0 $0x1  }
0x13: {  	[smem:$0x3FB4] =	sst s0;
	s0 =	simm.s32 @!p1 $0x0  }
0x14: {  	s2 =	sld [smem:$0x3F98];
	s0 =	simm.s32 @p1 $0x1  }
0x15: {  	[smem:$0x3FB5] =	sst s0;
	s0 =	simm.s32 @!p2 $0x0  }
0x16: {  	s3 =	sld [smem:$0x3FDB];
	s0 =	simm.s32 @p2 $0x1  }
0x17: {  	s4 =	simm.s32 $0x1BF5;
	[smem:$0x3FB7] =	sst s0  }
0x18: {  	s0 =	sld [smem:$0x3F9A];
	_ =	swait.ge [sflag:s4], $0x0  }
0x19: {  	s7 =	sld [smem:$0x3F9B]  }
0x1a: {  	s8 =	sadd.s32 $0xFFFFE003, lr  }
0x1b: {  	s9 =	sadd.s32 $0xFFFFFEF7, lr;
	s5 =	simm.s32 $0xFFFFFFFF;
	p2 =	slt.u32 s8, $0xFFFFF086  }
0x1c: {  	p1 =	slt.u32 s9, $0xF7A;
	s5 =	simm.s32 @!p2 $0x0  }
0x1d: {  	s5 =	simm.s32 @p1 $0x1;
	p0 =	seq.s32 s7, s2  }
0x1e: {  	s7 =	smul.u32 @!p0 $0xF7A, s2;
	p2 =	seq.s32 @!p0 s5, $0x0  }
0x1f: {  	s9 =	smul.u32 $0xF7A, s1;
	s8 =	simm.s32 @!p0 $0x1BF5;
	p2 =	por !p2, p0  }
0x20: {  	[sflag:s8] =	ssyncset.s32 @!p0 $0xFFFFF086;
	s6 =	sadd.s32 @!p0 s3, s7;
	s7 =	simm.s32 @!p0 $0x108  }
0x21: {  	s3 =	sadd.s32 s3, s9;
	s6 =	sadd.s32 @!p0 $0x88, s6;
	s7 =	simm.s32 @p2 $0x1082  }
0x22: {  	[simem:s7], [sflag:s8] =	dma.local @!p0 [hbm:s6], $0xF7A  }
0x23: {  	s9 =	sor.u32 $0xD0000000, s2;
	s6 =	simm.s32 $0x108;
	_ =	swait.ge @!p0 [sflag:s8], $0x0  }
0x24: {  	s3 =	sadd.s32 $0x88, s3;
	s6 =	simm.s32 @!p1 $0x1082;
	[sflag:s4] =	ssyncset.s32 $0xFFFFF086  }
0x25: {  	[simem:s6], [sflag:s4] =	dma.local [hbm:s3], $0xF7A  }
0x26: {  	[smem:$0x3F9B] =	sst s1;
	(tag) =	ssettag s2;
	_ =	strace s9  }
0x27: {  	s1 =	sld [smem:$0x3FAB]  }
0x28: {  	s2 =	sld [smem:$0x3FAC]  }
0x29: {  	s4 =	sld [smem:$0x3FAE]  }
0x2a: {  	p0 =	seq.s32 s5, $0x0;
	s5 =	sld [smem:$0x3FAF]  }
0x2b: {  	s6 =	sld [smem:$0x3FB0]  }
0x2c: {  	s7 =	sld [smem:$0x3FB1]  }
0x2d: {  	s3 =	simm.s32 $0x108;
	s8 =	sld [smem:$0x3FB2]  }
0x2e: {  	s3 =	simm.s32 @!p0 $0x1082;
	s9 =	sld [smem:$0x3FB3]  }
0x2f: {  	lr =	sadd.s32 s0, s3;
	s0 =	sld [smem:$0x3FAA]  }
0x30: {  	s3 =	sld [smem:$0x3FAD]  }
0x31: {  	[smem:$0x3FB6] =	sst s10  }
0x32: {  	s10 =	sld [smem:$0x3FB4];
	_ =	sdelay $0x3  }
0x33: {  	p0 =	seq.s32 s10, $0x1;
	s10 =	sld [smem:$0x3FB6];
	_ =	sdelay $0x3  }
0x34: {  	[smem:$0x3FB6] =	sst s10  }
0x35: {  	s10 =	sld [smem:$0x3FB5];
	_ =	sdelay $0x3  }
0x36: {  	p1 =	seq.s32 s10, $0x1;
	s10 =	sld [smem:$0x3FB6];
	_ =	sdelay $0x3  }
0x37: {  	[smem:$0x3FB6] =	sst s10  }
0x38: {  	s10 =	sld [smem:$0x3FB7]  }
0x39: {  	_ = 	snop;
	(pc) =	sbr.ind lr, $3  }
0x3a: {  	_ = 	snop  }
0x3b: {  	_ = 	snop  }
0x3c: {  	p2 =	seq.s32 s10, $0x1;
	s10 =	sld [smem:$0x3FB6]  }
0x3d: {  	_ =	shalt  }
0x3e: {  	_ =	shalt  }
0x3f: {  	_ =	shalt  }
0x40: {  	_ =	shalt  }
0x41: {  	_ =	shalt  }
0x42: {  	_ =	shalt  }
0x43: {  	_ =	shalt  }
0x44: {  	_ =	shalt  }
0x45: {  	_ =	shalt  }
0x46: {  	_ =	shalt  }
0x47: {  	_ =	shalt  }
0x48: {  	_ =	shalt  }
0x49: {  	_ =	shalt  }
0x4a: {  	_ =	shalt  }
0x4b: {  	_ =	shalt  }
0x4c: {  	_ =	shalt  }
0x4d: {  	_ =	shalt  }
0x4e: {  	_ =	shalt  }
0x4f: {  	_ =	shalt  }
0x50: {  	_ =	shalt  }
0x51: {  	_ =	shalt  }
0x52: {  	_ =	shalt  }
0x53: {  	_ =	shalt  }
0x54: {  	_ =	shalt  }
0x55: {  	_ =	shalt  }
0x56: {  	_ =	shalt  }
0x57: {  	_ =	shalt  }
0x58: {  	_ =	shalt  }
0x59: {  	_ =	shalt  }
0x5a: {  	_ =	shalt  }
0x5b: {  	_ =	shalt  }
0x5c: {  	_ =	shalt  }
0x5d: {  	_ =	shalt  }
0x5e: {  	_ =	shalt  }
0x5f: {  	_ =	shalt  }
0x60: {  	_ =	shalt  }
0x61: {  	_ =	shalt  }
0x62: {  	_ =	shalt  }
0x63: {  	_ =	shalt  }
0x64: {  	_ =	shalt  }
0x65: {  	_ =	shalt  }
0x66: {  	_ =	shalt  }
0x67: {  	_ =	shalt  }
0x68: {  	_ =	shalt  }
0x69: {  	_ =	shalt  }
0x6a: {  	_ =	shalt  }
0x6b: {  	_ =	shalt  }
0x6c: {  	_ =	shalt  }
0x6d: {  	_ =	shalt  }
0x6e: {  	_ =	shalt  }
0x6f: {  	_ =	shalt  }
0x70: {  	_ =	shalt  }
0x71: {  	_ =	shalt  }
0x72: {  	_ =	shalt  }
0x73: {  	_ =	shalt  }
0x74: {  	_ =	shalt  }
0x75: {  	_ =	shalt  }
0x76: {  	_ =	shalt  }
0x77: {  	_ =	shalt  }
0x78: {  	_ =	shalt  }
0x79: {  	_ =	shalt  }
0x7a: {  	_ =	shalt  }
0x7b: {  	_ =	shalt  }
0x7c: {  	_ =	shalt  }
0x7d: {  	_ =	shalt  }
0x7e: {  	_ =	shalt  }
0x7f: {  	_ =	shalt  }
0x80: {  	_ =	shalt  }
0x81: {  	_ =	shalt  }
0x82: {  	_ =	shalt  }
0x83: {  	_ =	shalt  }
0x84: {  	_ =	shalt  }
0x85: {  	_ =	shalt  }
0x86: {  	_ =	shalt  }
0x87: {  	_ =	shalt  }
.Lfunc_end0:
.L_simem_size_0:
called_computation_lowered:
.L_overlay_start_0:
0x88: {  	s0 =	sld [smem:$0x3FD9]  }
0x89: {  	s1 =	sld [smem:$0x3FFE];
	_ =	sdelay $0x3  }
0x8a: {  	s0 =	sadd.s32 s1, s0  }
0x8b: {  	[smem:$0x3FC2] =	sst s0  }
0x8c: {  	_ = 	snop  }
0x8d: {  	s0 =	sld [smem:$0x3FD0];
	(tm) =	ssettm $0x1  }
0x8e: {  	s16 =	sld [smem:$0x3FFB];
	_ =	sdelay $0x3  }
0x8f: {  	_ =	strace s16  }
0x90: {  	s1 =	sld [smem:$0x3FFC];
	_ =	sdelay $0x3  }
0x91: {  	_ =	strace s1  }
0x92: {  	s1 =	sld [smem:$0x3FFD];
	_ =	sdelay $0x3  }
0x93: {  	_ =	strace s1  }
0x94: {  	_ =	strace $0x8FFFFFFF  }
0x95: {  	s17 =	sld [smem:$0x3FDB];
	_ =	sdelay $0x1  }
0x96: {  	s2 =	simm.s32 $_scs_section_size  }
0x97: {  	s3 =	simm.s32 $_size__tile_overlayer_lowered;
	s4 =	simm.s32 $_tile_overlayer_lowered  }
0x98: {  	s20 =	simm.s32 $0x1BFF;
	s19 =	sshll.u32 s4, $0x1;
	s1 =	sadd.s32 s2, s17  }
0x99: {  	s5 =	simm.s32 $0x0;
	s18 =	sshll.u32 s3, $0x1;
	s3 =	sadd.s32 s19, s1  }
0x9a: {  	[timem:s5], [sflag:s20] =	dma.local [hbm:s3], s18  }
0x9b: {  	_ =	swait.ge [sflag:s20], s18  }
0x9c: {  	s2 =	ssub.s32 $0x0, s18;
	[sflag:s20] =	ssyncset.done $0x0  }
0x9d: {  	[sflag:s20] =	ssyncadd.s32 s2;
	_ =	sdelay $0x1  }
0x9e: {  	s21 =	simm.s32 $0x1B8B  }
0x9f: {  	_ =	swait.ge [sflag:s21], $0x1  }
0xa0: {  	[sflag:s21] =	ssyncset.done $0x0  }
0xa1: {  	s23 =	simm.s32 $0x1B8E;
	s22 =	sld [smem:$0x3FFE];
	[sflag:s21] =	ssyncadd.s32 $0xFFFFFFFF  }
0xa2: {  	s24 =	simm.s32 $execute0_lowered;
	[smem:$0x3FD2] =	sst s23  }
0xa3: {  	s3 =	sshll.u32 s24, $0x1;
	_ =	strace $0x80000046;
	[dreg:$0x1] =	wrdreg $0xFFFFFFFF  }
0xa4: {  	s25 =	simm.s32 $_size_execute0_lowered;
	s1 =	sadd.s32 s1, s3;
	[dreg:$0x0] =	wrdreg $0x0  }
0xa5: {  	s3 =	sshll.u32 s25, $0x1;
	[dreg:$0x2] =	wrdreg s1  }
0xa6: {  	[dreg:$0x3] =	wrdreg s3  }
0xa7: {  	[dreg:$0x4] =	wrdreg $0xC0  }
0xa8: {  	_ =	task [dreg:s5], $0x5FFFF  }
0xa9: {  	[dreg:$0x1] =	wrdreg $0xFFFFFFFF  }
0xaa: {  	[dreg:$0x0] =	wrdreg $0x60  }
0xab: {  	[dreg:$0x2] =	wrdreg s22  }
0xac: {  	[dreg:$0x3] =	wrdreg s0  }
0xad: {  	[dreg:$0x4] =	wrdreg $0x9  }
0xae: {  	_ =	task.clear_ibuf [dreg:s5], $0x5FFFF;
	_ =	strace $0x90000046  }
0xaf: {  	s26 =	simm.s32 $0x9;
	_ =	strace $0x80000048  }
0xb0: {  	_ =	swait.ge [sflag:s26], $0x1  }
0xb1: {  	[sflag:s26] =	ssyncadd.s32 $0xFFFFFFFF  }
0xb2: {  	_ =	strace $0x90000048  }
0xb3: {  	_ =	sfence  }
0xb4: {  	s28 =	sld [smem:$0x0];
	_ =	sdelay $0x1  }
0xb5: {  	s29 =	srdreg.scid  }
0xb6: {  	s30 =	sshll.u32 s29, $0xD;
	s31 =	sshrl.u32 s29, $0x2  }
0xb7: {  	s2 =	sand.u32 $0x4000, s30;
	s1 =	sand.u32 $0x1, s29;
	s0 =	sadd.s32 s31, s28  }
0xb8: {  	s1 =	sor.u32 s2, s1;
	s0 =	sshll.u32 s0, $0x11  }
0xb9: {  	s0 =	sor.u32 s0, s1  }
0xba: {  	s0 =	sadd.s32 $0x8F2B, s0  }
0xbb: {  	[sflag:s0] =	ssyncadd.remote.s32 $0x1  }
0xbc: {  	_ =	sfence.sel $0xFFFF  }
0xbd: {  	[dreg:$0x0] =	wrdreg $0xFFFFFFFF;
	(pc) =	sbr.abs _section_cstart, $3  }
0xbe: {  	[dreg:$0x1] =	wrdreg $0xFFFFFFFF  }
0xbf: {  	_ =	task.clear_ibuf [dreg:s5], $0x2FFFF;
	_ =	strace $0x9FFFFFFF  }
0xc0: {  	(tm) =	ssettm $0x7FFFFFFF  }
0xc1: {  	_ =	shalt  }
tec
execute0_lowered:
.L_overlay_start_1:
0x0: {  	(tag) =	ssettag $0x1  }
0x1: {  	s0 =	stileid.u32  }
0x2: {  	s1 =	smin.u32 s0, $0x9  }
0x3: {  	s1 =	sadd.s32 s0, s1  }
0x4: {  	s2 =	simm.s32 $0xA0;
	p0 =	slt.u32 s0, $0x9;
	s1 =	smul.u32 $0x50, s1  }
0x5: {  	s2 =	simm.s32 @!p0 $0x50  }
0x6: {  	s2 =	sadd.s32 s2, s1  }
0x7: {  	s3 =	smin.u32 s2, $0x7D0  }
0x8: {  	s7 =	ssub.s32 s3, s1  }
0x9: {  	p0 =	sgt.s32 s7, $0x0  }
0xa: {  	s7 =	simm.s32 @!p0 $0x0  }
0xb: {  	s4 =	rddreg [dreg:$0x0];
	s31 =	smul.u32 $0xCCCD, s7  }
0xc: {  	s5 =	rddreg [dreg:$0x1]  }
0xd: {  	s6 =	simm.s32 $0x1;
	s10 =	simm.s32 $0x3;
	s8 =	sshrl.u32 s31, $0x16  }
0xe: {  	s13 =	simm.s32 $0x0;
	s12 =	simm.s32 $0x0;
	s9 =	smul.u32 $0x50, s8  }
.Ltmp0:
0xf: {  	s11 =	smov.u32 s1;
	s2 =	rddreg [dreg:$0x2];
	(pc) =	sbr.rel .LBB2_1-.Ltmp0, $4  }
0x10: {  	_ =	strace $0x80000047;
	p0 =	sne.s32 s7, s9;
	s9 =	simm.s32 $0x1  }
0x11: {  	[sflag:s6] =	ssyncpa.u1 $0x0;
	s7 =	simm.s32 $0x2;
	s9 =	simm.s32 @!p0 $0x0  }
0x12: {  	[sflag:s7] =	ssyncpa.u1 $0x0;
	p0 =	por $0x0, $0x0;
	s8 =	sadd.s32 s8, s9  }
0x13: {  	v0 =	vimm.s32 $0x0;
	vm0 =	vmmov $0xff;
	vm1 =	vcmask $0x3F20;
	s9 =	sadd.s32 $0x200, s4;
	[sflag:s10] =	ssyncpa.u1 $0x0;
	s10 =	sadd.s32 $0x1, s8  }
.LBB2_6:
0x14: {  	[hbm:s17] =	stream.linear.scatter [tilespmem:s14], [sflag:$0x3], $0x400, $0x38;
	[tilespmem:$0x50A0] =	vst v63  }
.LBB2_7:
0x15: {  	s13 =	sadd.s32 $0x50, s11  }
0x16: {  	s15 =	smov.u32 s1;
	p2 =	slt.s32 s13, s3  }
0x17: {  	s15 =	smov.u32 @p2 s13;
	p2 =	sne.s32 s12, s10  }
.Ltmp1:
0x18: {  	p1 =	slt.u32 s12, $0x2;
	(pc) =	sbr.rel @!p2 .LBB2_8-.Ltmp1, $4  }
0x19: {  	s14 =	simm.s32 @!p1 $0x3  }
0x1a: {  	s16 =	sadd.s32 $0x1, s12;
	_ =	swait.ge @!p1 [sflag:s14], $0x2800  }
0x1b: {  	p0 =	por !p0, !p0;
	s13 =	smov.u32 s11;
	[sflag:s14] =	ssyncset.done @!p1 $0x0  }
0x1c: {  	s12 =	smov.u32 s16;
	s11 =	smov.u32 s15;
	[sflag:s14] =	ssyncadd.s32 @!p1 $0xFFFFD800  }
.LBB2_1:
0x1d: {  	p1 =	sge.u32 s12, s8  }
0x1e: {  	s14 =	sxor.u32 @!p1 $0xFFFFFFFF, s12  }
0x1f: {  	s14 =	sand.u32 @!p1 $0x1, s14  }
0x20: {  	s14 =	smul.u32 @!p1 $0x140, s14  }
0x21: {  	s31 =	sadd.s32 $0xFFFFFFFF, s12;
	s15 =	sshrl.u32 @!p1 s11, $0x3  }
0x22: {  	s16 =	sand.u32 @!p1 $0x7, s11;
	s15 =	sadd.s32 @!p1 s4, s15;
	s14 =	sshrl.u32 @!p1 s14, $0x2  }
0x23: {  	[tilespmem:s14], [sflag:$0x2] =	stream.linear.gather @!p1 [hbm4b:s15+s16], $0x50, $0x38;
	[tilespmem:$0x50A0] =	vst v63  }
0x24: {  	p1 =	sge.u32 s31, s8  }
.Ltmp2:
0x25: {  	_ = 	snop;
	(pc) =	sbr.rel @p1 .LBB2_7-.Ltmp2, $1  }
0x26: {  	_ =	sdelay $0x3  }
0x27: {  	s14 =	simm.s32 $0x1  }
0x28: {  	s14 =	simm.s32 @!p0 $0x0  }
0x29: {  	s15 =	smul.u32 $0x140, s14  }
0x2a: {  	_ =	swait.ge [sflag:s7], $0x50  }
0x2b: {  	[sflag:s7] =	ssyncset.done $0x0;
	s16 =	sshrl.u32 s15, $0x2  }
0x2c: {  	[sflag:s7] =	ssyncadd.s32 $0xFFFFFFB0;
	s15 =	sadd.s32 $0x0, s16  }
0x2d: {  	v1 =	vld.msk [tilespmem:s15+$0x0 ss:$0x1], $0xffff;
	_ =	sdelay $0x4  }
0x2e: {  	v2 =	vand.u32 $0x1, v1;
	v3 =	vshll.u32 v1, $0x6  }
0x2f: {  	vm2 =	veq.s32 v1, $0x80000000;
	vm3 =	veq.s32 v2, $0x1;
	v1 =	vand.u32 $0xFFF80, v3  }
0x30: {  	v2 =	vsel vm3, $0x9C400, v0;
	v1 =	vsel vm2, $0xFFFFFF80, v1  }
0x31: {  	v2 =	vsel vm2, $0xFFF63C00, v2;
	v3 =	vand.u32 $0xFFFFFC00, v1  }
0x32: {  	v1 =	vand.u32 $0x380, v1;
	v2 =	vadd.s32 v2, v3  }
0x33: {  	v1 =	vor.u32 v1, v2  }
0x34: {  	v1 =	vshrl.u32 v1, $0x3  }
0x35: {  	s14 =	smul.u32 $0xA000, s14;
	_ =	sdelay $0x1  }
0x36: {  	s14 =	sshrl.u32 s14, $0x2  }
0x37: {  	s14 =	sor.u32 $0xA0, s14  }
0x38: {  	[tilespmem:s14], [sflag:$0x1] =	stream.indirect_vreg.gather [hbm:s9], $0x80, v1, vm0, $0x38;
	[tilespmem:$0x50A0] =	vst v63  }
0x39: {  	s17 =	sadd.s32 $0x10, s16;
	s15 =	sadd.s32 $0x400, s14  }
0x3a: {  	[tilespmem:s15], [sflag:$0x1] =	stream.indirect_vreg.gather [hbm:s9], $0x80, v1, vm1, $0x38;
	[tilespmem:$0x50A0] =	vst v63  }
0x3b: {  	s18 =	simm.s32 $0x80;
	v1 =	vld.msk [tilespmem:s17+$0x0 ss:$0x1], $0xffff;
	s17 =	smov.u32 s14  }
.LBB2_3:
0x3c: {  	p1 =	sne.s32 s18, $0x100;
	_ =	sdelay $0x4  }
0x3d: {  	v2 =	vand.u32 $0x1, v1;
	v3 =	vshll.u32 v1, $0x6  }
0x3e: {  	vm2 =	veq.s32 v1, $0x80000000;
	vm3 =	veq.s32 v2, $0x1;
	v1 =	vand.u32 $0xFFF80, v3  }
0x3f: {  	v2 =	vsel vm3, $0x9C400, v0;
	v1 =	vsel vm2, $0xFFFFFF80, v1  }
0x40: {  	v2 =	vsel vm2, $0xFFF63C00, v2;
	v3 =	vand.u32 $0xFFFFFC00, v1  }
0x41: {  	v1 =	vand.u32 $0x380, v1;
	v2 =	vadd.s32 v2, v3  }
0x42: {  	v1 =	vor.u32 v1, v2  }
0x43: {  	v1 =	vshrl.u32 v1, $0x3;
	_ =	sdelay $0x3  }
.Ltmp3:
0x44: {  	s19 =	sshra.s32 s18, $0x2;
	s17 =	sadd.s32 $0x800, s17;
	(pc) =	sbr.rel @p1 .LBB2_3-.Ltmp3, $4  }
0x45: {  	[tilespmem:s17], [sflag:$0x1] =	stream.indirect_vreg.gather [hbm:s9], $0x80, v1, vm0, $0x38;
	[tilespmem:$0x50A0] =	vst v63  }
0x46: {  	s19 =	sadd.s32 s19, s16;
	s20 =	sadd.s32 $0x400, s17  }
0x47: {  	[tilespmem:s20], [sflag:$0x1] =	stream.indirect_vreg.gather [hbm:s9], $0x80, v1, vm1, $0x38;
	[tilespmem:$0x50A0] =	vst v63  }
0x48: {  	s18 =	sadd.s32 $0x40, s18;
	v1 =	vld.msk [tilespmem:s19+$0x0 ss:$0x1], $0xffff  }
0x49: {  	_ =	sdelay $0x3  }
0x4a: {  	v2 =	vand.u32 $0x1, v1;
	v3 =	vshll.u32 v1, $0x6  }
0x4b: {  	vm2 =	veq.s32 v1, $0x80000000;
	vm3 =	veq.s32 v2, $0x1;
	v1 =	vand.u32 $0xFFF80, v3  }
0x4c: {  	v2 =	vsel vm3, $0x9C400, v0;
	v1 =	vsel vm2, $0xFFFFFF80, v1  }
0x4d: {  	v2 =	vsel vm2, $0xFFF63C00, v2;
	v3 =	vand.u32 $0xFFFFFC00, v1  }
0x4e: {  	v1 =	vand.u32 $0x380, v1;
	v2 =	vadd.s32 v2, v3  }
0x4f: {  	v1 =	vor.u32 v1, v2  }
0x50: {  	v1 =	vshrl.u32 v1, $0x3;
	_ =	sdelay $0x3  }
0x51: {  	s16 =	sadd.s32 $0x800, s17  }
0x52: {  	[tilespmem:s16], [sflag:$0x1] =	stream.indirect_vreg.gather [hbm:s9], $0x80, v1, vm0, $0x38;
	[tilespmem:$0x50A0] =	vst v63  }
0x53: {  	s16 =	sadd.s32 $0x400, s16  }
0x54: {  	[tilespmem:s16], [sflag:$0x1] =	stream.indirect_vreg.gather [hbm:s9], $0x80, v1, vm1, $0x38;
	[tilespmem:$0x50A0] =	vst v63  }
0x55: {  	s13 =	sshll.u32 s13, $0x4;
	_ =	swait.ge [sflag:s6], $0x2800  }
0x56: {  	s13 =	sadd.s32 s13, s5;
	[sflag:s6] =	ssyncset.done $0x0  }
0x57: {  	s17 =	sadd.s32 $0x0, s13;
	s16 =	simm.s32 $0x80;
	[sflag:s6] =	ssyncadd.s32 $0xFFFFD800  }
.LBB2_5:
0x58: {  	[hbm:s17] =	stream.linear.scatter [tilespmem:s14], [sflag:$0x3], $0x400, $0x38;
	[tilespmem:$0x50A0] =	vst v63  }
0x59: {  	s17 =	smov.u32 s16;
	s14 =	smov.u32 s15;
	p1 =	sne.s32 s16, $0x480  }
.Ltmp4:
0x5a: {  	s16 =	sadd.s32 $0x80, s16;
	(pc) =	sbr.rel @p1 .LBB2_5-.Ltmp4, $2  }
0x5b: {  	_ =	sdelay $0x2  }
0x5c: {  	s15 =	sadd.s32 $0x400, s15;
	s17 =	sadd.s32 s17, s13  }
.Ltmp5:
0x5d: {  	_ = 	snop;
	(pc) =	sbr.rel .LBB2_6-.Ltmp5, $1  }
0x5e: {  	_ =	sdelay $0x3  }
.LBB2_8:
0x5f: {  	_ =	sfence.sel $0x180000  }
0x60: {  	s1 =	simm.s32 $0x2;
	[bflag:$0x0] =	sbarrier.arrive $0xFFFF  }
0x61: {  	s30 =	simm.s32 $0x3;
	[sflag:s1] =	ssyncpa.u1 $0x1  }
0x62: {  	s31 =	simm.s32 $0x1;
	[sflag:s30] =	ssyncpa.u1 $0x1  }
0x63: {  	[sflag:s31] =	ssyncpa.u1 $0x1  }
0x64: {  	p0 =	sne.s32 s0, $0x0;
	_ =	strace $0x90000047  }
0x65: {  	s0 =	sadd.s32 @!p0 $0x100000, s2;
	[bflag:$0x2] =	sbarrier.arrive $0xFFFF  }
0x66: {  	[sflag:s0] =	ssyncadd.tile.s32 @!p0 $0x1;
	_ =	shalt  }
.Lfunc_end2:
_tile_overlayer_lowered:
.L_overlay_start_2:
0x67: {  	(tag) =	ssettag $0x2  }
0x68: {  	s0 =	rddreg [dreg:$0x0];
	s2 =	stileid.u32  }
0x69: {  	s1 =	rddreg [dreg:$0x1];
	p0 =	sne.s32 s2, $0x0  }
0x6a: {  	s3 =	rddreg [dreg:$0x2];
	[bflag:$0x3] =	sbarrier.arrive $0xFFFF;
	s2 =	simm.s32 @!p0 $0x1C01  }
0x6b: {  	[timem:s3], [sflag:s2] =	dma.local @!p0 [hbm:s0], s1  }
0x6c: {  	s0 =	simm.s32 @!p0 $0x1  }
0x6d: {  	_ =	swait.ge @!p0 [sflag:s0], s1  }
0x6e: {  	s1 =	ssub.s32 @!p0 $0x0, s1;
	[sflag:s0] =	ssyncset.done @!p0 $0x0  }
0x6f: {  	[sflag:s0] =	ssyncadd.s32 @!p0 s1  }
0x70: {  	[bflag:$0x3] =	sbarrier.arrive $0xFFFF  }
0x71: {  	_ =	shalt  }

</sc_bundles>
